<compile_context>
chip_gen: v7x
topology: tpu7x:2x2x1
jax: 0.10.2.dev20260603
libtpu: 0.0.44.dev20260713+nightly
codegen_flags: <defaults>
</compile_context>

<pallas_src>
import functools

import jax
import jax.numpy as jnp
from jax import lax
from jax.experimental import pallas as pl
from jax.experimental.pallas import tpu as pltpu
from jax.experimental.pallas import tpu_sc as plsc

NC = 2
NS = 16
NW = NC * NS
L = 16

BATCH = 16384
DIM = 64
B_PER_W = BATCH // NW
CHUNK = 128
NCHUNK = B_PER_W // CHUNK

_MESH = dict(core_axis_name="c", subcore_axis_name="s",
             num_cores=NC, num_subcores=NS)
_CPARAMS = dict(needs_layout_passes=False, use_tc_tiling_on_sc=False)


def _gather_body(idx_hbm, w_hbm, out_hbm, idx_v, rows_v, sem):
    wid = lax.axis_index("s") * NC + lax.axis_index("c")
    base = wid * B_PER_W
    pltpu.sync_copy(idx_hbm.at[pl.ds(wid * NCHUNK, NCHUNK)], idx_v)
    copies = []
    for j in range(NCHUNK):
        copies.append(pltpu.async_copy(
            w_hbm.at[idx_v.at[j]], rows_v.at[pl.ds(j * CHUNK, CHUNK)], sem))
    for c in copies:
        c.wait()
    pltpu.sync_copy(rows_v, out_hbm.at[pl.ds(base, B_PER_W)])


def _dot_body(ce_hbm, xe_hbm, out_hbm, crows_v, xrows_v, out_v, sem):
    wid = lax.axis_index("s") * NC + lax.axis_index("c")
    base = wid * B_PER_W
    pltpu.sync_copy(ce_hbm.at[pl.ds(base, B_PER_W)], crows_v)
    pltpu.sync_copy(xe_hbm.at[pl.ds(base, B_PER_W)], xrows_v)
    iota = lax.iota(jnp.int32, L)

    def group(g, carry):
        r0 = g * L
        vec = jnp.zeros((L,), jnp.float32)
        for u in range(L):
            r = r0 + u
            s = jnp.zeros((L,), jnp.float32)
            for k in range(DIM // L):
                cg = crows_v[r, pl.ds(k * L, L)]
                xg = xrows_v[r, pl.ds(k * L, L)]
                s = s + cg * xg
            vec = jnp.where(iota == u, jnp.sum(s), vec)
        out_v[pl.ds(r0, L)] = vec
        return carry

    lax.fori_loop(0, B_PER_W // L, group, 0)
    pltpu.sync_copy(out_v, out_hbm.at[pl.ds(base, B_PER_W)])


@jax.jit
def _run(cidx, xidx, cw, xw):
    mesh = plsc.VectorSubcoreMesh(**_MESH)
    gather = pl.kernel(
        _gather_body,
        out_type=jax.ShapeDtypeStruct((BATCH, DIM), jnp.float32),
        mesh=mesh,
        compiler_params=pltpu.CompilerParams(**_CPARAMS),
        scratch_types=[
            pltpu.VMEM((NCHUNK, CHUNK), jnp.int32),
            pltpu.VMEM((B_PER_W, DIM), jnp.float32),
            pltpu.SemaphoreType.DMA,
        ],
    )
    ce = gather(cidx, cw)
    xe = gather(xidx, xw)
    dot = pl.kernel(
        _dot_body,
        out_type=jax.ShapeDtypeStruct((BATCH,), jnp.float32),
        mesh=mesh,
        compiler_params=pltpu.CompilerParams(**_CPARAMS),
        scratch_types=[
            pltpu.VMEM((B_PER_W, DIM), jnp.float32),
            pltpu.VMEM((B_PER_W, DIM), jnp.float32),
            pltpu.VMEM((B_PER_W,), jnp.float32),
            pltpu.SemaphoreType.DMA,
        ],
    )
    return dot(ce, xe)


def kernel(center_idx, context_idx, center_W, context_W):
    cidx = center_idx.astype(jnp.int32).reshape(NW * NCHUNK, CHUNK)
    xidx = context_idx.astype(jnp.int32).reshape(NW * NCHUNK, CHUNK)
    return _run(cidx, xidx, center_W, context_W)

# --- scband reference (transcript-rebuilt; emitter-appended) ---
"""Pipeline reference for scband-skip-gram-ns-46059229282558 (READ-ONLY COPY).

The authoritative reference and input builder live on the scoring server;
editing this copy changes nothing except your own understanding.
"""

import jax, jax.numpy as jnp
import numpy as np

VOCAB = 1000000
DIM = 64
BATCH = 16384

def setup_inputs(seed: int = 0) -> dict:
    key = jax.random.key(seed)
    k1, k2, k3, k4 = jax.random.split(key, 4)
    center_idx = jax.random.randint(k1, (BATCH,), 0, VOCAB, dtype=jnp.int64 if jax.config.jax_enable_x64 else jnp.int32)
    context_idx = jax.random.randint(k2, (BATCH,), 0, VOCAB, dtype=jnp.int64 if jax.config.jax_enable_x64 else jnp.int32)
    # Xavier uniform init: bound = sqrt(6 / (fan_in + fan_out))
    bound = float(np.sqrt(6.0 / (VOCAB + DIM)))
    center_W = jax.random.uniform(k3, (VOCAB, DIM), minval=-bound, maxval=bound, dtype=jnp.float32)
    context_W = jax.random.uniform(k4, (VOCAB, DIM), minval=-bound, maxval=bound, dtype=jnp.float32)
    return {"center_idx": center_idx, "context_idx": context_idx, "center_W": center_W, "context_W": context_W}

def reference(center_idx, context_idx, center_W, context_W):
    center_embed = jnp.take(center_W, center_idx, axis=0)
    context_embed = jnp.take(context_W, context_idx, axis=0)
    score = (center_embed * context_embed).sum(axis=1)
    return score

if __name__ == "__main__":
    import jax
    _d = setup_inputs()
    print(jax.jit(kernel)(*tuple(_d.values())))

</pallas_src>

<mosaic_0001>
#map = affine_map<(d0, d1) -> (0, 0)>
module attributes {stable_mosaic.version = 14 : i64} {
  func.func @_gather_body(%arg0: i32, %arg1: i32, %arg2: memref<128x128xi32, #tpu.memory_space<hbm>>, %arg3: memref<1000000x64xf32, #tpu.memory_space<hbm>>, %arg4: memref<16384x64xf32, #tpu.memory_space<hbm>>, %arg5: memref<4x128xi32, #tpu.memory_space<vmem>>, %arg6: memref<512x64xf32, #tpu.memory_space<vmem>>, %arg7: memref<!tpu.dma_semaphore, #tpu.memory_space<semaphore_mem>>) attributes {dimension_semantics = [#tpu.dimension_semantics<core_parallel>, #tpu.dimension_semantics<subcore_parallel>], iteration_bounds = array<i64: 2, 16>, scalar_prefetch = 0 : i64, scratch_operands = 3 : i64, tpu.core_type = #tpu.core_type<sc_vector_subcore>, window_params = [{transform_indices = #map}, {transform_indices = #map}, {transform_indices = #map}]} {
    %mul3A = arith.constant 2 : i32
    %mul3A_0 = arith.muli %arg1, %mul3A : i32
    %add3A = arith.addi %mul3A_0, %arg0 : i32
    %mul3A_1 = arith.constant 512 : i32
    %mul3A_2 = arith.muli %add3A, %mul3A_1 : i32
    %mul3A_3 = arith.constant 4 : i32
    %mul3A_4 = arith.muli %add3A, %mul3A_3 : i32
    "tpu.region"() ({
      %run_scoped3A = tpu.sem_alloc : memref<!tpu.dma_semaphore, #tpu.memory_space<semaphore_mem>>
      %dma_start3A_83 = arith.constant 0 : i32
      %dma_start3A_84 = tpu.memref_slice %arg2[%mul3A_4, %dma_start3A_83] : memref<128x128xi32, #tpu.memory_space<hbm>> -> memref<4x128xi32, #tpu.memory_space<hbm>>
      %dma_start3A_85 = arith.constant 0 : i32
      %dma_start3A_86 = tpu.memref_slice %arg2[%mul3A_4, %dma_start3A_85] : memref<128x128xi32, #tpu.memory_space<hbm>> -> memref<4x128xi32, #tpu.memory_space<hbm>>
      tpu.enqueue_dma source(%dma_start3A_86 : memref<4x128xi32, #tpu.memory_space<hbm>>) target(%arg5 : memref<4x128xi32, #tpu.memory_space<vmem>>) target_semaphore(%run_scoped3A : memref<!tpu.dma_semaphore, #tpu.memory_space<semaphore_mem>>)
      %dma_wait3A_87 = arith.constant 0 : i32
      %dma_wait3A_88 = tpu.memref_slice %arg2[%mul3A_4, %dma_wait3A_87] : memref<128x128xi32, #tpu.memory_space<hbm>> -> memref<4x128xi32, #tpu.memory_space<hbm>>
      %dma_wait3A_89 = arith.constant 0 : i32
      %dma_wait3A_90 = tpu.memref_slice %arg2[%mul3A_4, %dma_wait3A_89] : memref<128x128xi32, #tpu.memory_space<hbm>> -> memref<4x128xi32, #tpu.memory_space<hbm>>
      tpu.wait_dma2 semaphore(%run_scoped3A : memref<!tpu.dma_semaphore, #tpu.memory_space<semaphore_mem>>) src(%dma_wait3A_90 : memref<4x128xi32, #tpu.memory_space<hbm>>) dst(%arg5 : memref<4x128xi32, #tpu.memory_space<vmem>>)
      tpu.yield
    }) : () -> ()
    %dma_start3A = arith.constant 0 : i32
    %dma_start3A_5 = arith.constant 0 : i32
    %dma_start3A_6 = arith.constant 0 : i32
    %dma_start3A_7 = tpu.memref_slice %arg6[%dma_start3A_5, %dma_start3A_6] : memref<512x64xf32, #tpu.memory_space<vmem>> -> memref<128x64xf32, #tpu.memory_space<vmem>>
    %dma_start3A_8 = arith.constant 0 : i32
    %dma_start3A_9 = tpu.memref_slice %arg5[%dma_start3A, %dma_start3A_8] : memref<4x128xi32, #tpu.memory_space<vmem>> -> memref<1x128xi32, #tpu.memory_space<vmem>>
    %dma_start3A_10 = tpu.memref_squeeze %dma_start3A_9 : memref<1x128xi32, #tpu.memory_space<vmem>> -> memref<128xi32, #tpu.memory_space<vmem>>
    %dma_start3A_11 = arith.constant 0 : i32
    %dma_start3A_12 = arith.constant 0 : i32
    %dma_start3A_13 = tpu.memref_slice %arg3[%dma_start3A_11, %dma_start3A_12] : memref<1000000x64xf32, #tpu.memory_space<hbm>> -> memref<1000000x64xf32, #tpu.memory_space<hbm>>
    tpu.enqueue_indirect_dma source(%dma_start3A_13 : memref<1000000x64xf32, #tpu.memory_space<hbm>>) target(%dma_start3A_7 : memref<128x64xf32, #tpu.memory_space<vmem>>) offsets(%dma_start3A_10 : memref<128xi32, #tpu.memory_space<vmem>>) semaphore(%arg7 : memref<!tpu.dma_semaphore, #tpu.memory_space<semaphore_mem>>)
    %dma_start3A_14 = arith.constant 1 : i32
    %dma_start3A_15 = arith.constant 128 : i32
    %dma_start3A_16 = arith.constant 0 : i32
    %dma_start3A_17 = tpu.memref_slice %arg6[%dma_start3A_15, %dma_start3A_16] : memref<512x64xf32, #tpu.memory_space<vmem>> -> memref<128x64xf32, #tpu.memory_space<vmem>>
    %dma_start3A_18 = arith.constant 0 : i32
    %dma_start3A_19 = tpu.memref_slice %arg5[%dma_start3A_14, %dma_start3A_18] : memref<4x128xi32, #tpu.memory_space<vmem>> -> memref<1x128xi32, #tpu.memory_space<vmem>>
    %dma_start3A_20 = tpu.memref_squeeze %dma_start3A_19 : memref<1x128xi32, #tpu.memory_space<vmem>> -> memref<128xi32, #tpu.memory_space<vmem>>
    %dma_start3A_21 = arith.constant 0 : i32
    %dma_start3A_22 = arith.constant 0 : i32
    %dma_start3A_23 = tpu.memref_slice %arg3[%dma_start3A_21, %dma_start3A_22] : memref<1000000x64xf32, #tpu.memory_space<hbm>> -> memref<1000000x64xf32, #tpu.memory_space<hbm>>
    tpu.enqueue_indirect_dma source(%dma_start3A_23 : memref<1000000x64xf32, #tpu.memory_space<hbm>>) target(%dma_start3A_17 : memref<128x64xf32, #tpu.memory_space<vmem>>) offsets(%dma_start3A_20 : memref<128xi32, #tpu.memory_space<vmem>>) semaphore(%arg7 : memref<!tpu.dma_semaphore, #tpu.memory_space<semaphore_mem>>)
    %dma_start3A_24 = arith.constant 2 : i32
    %dma_start3A_25 = arith.constant 256 : i32
    %dma_start3A_26 = arith.constant 0 : i32
    %dma_start3A_27 = tpu.memref_slice %arg6[%dma_start3A_25, %dma_start3A_26] : memref<512x64xf32, #tpu.memory_space<vmem>> -> memref<128x64xf32, #tpu.memory_space<vmem>>
    %dma_start3A_28 = arith.constant 0 : i32
    %dma_start3A_29 = tpu.memref_slice %arg5[%dma_start3A_24, %dma_start3A_28] : memref<4x128xi32, #tpu.memory_space<vmem>> -> memref<1x128xi32, #tpu.memory_space<vmem>>
    %dma_start3A_30 = tpu.memref_squeeze %dma_start3A_29 : memref<1x128xi32, #tpu.memory_space<vmem>> -> memref<128xi32, #tpu.memory_space<vmem>>
    %dma_start3A_31 = arith.constant 0 : i32
    %dma_start3A_32 = arith.constant 0 : i32
    %dma_start3A_33 = tpu.memref_slice %arg3[%dma_start3A_31, %dma_start3A_32] : memref<1000000x64xf32, #tpu.memory_space<hbm>> -> memref<1000000x64xf32, #tpu.memory_space<hbm>>
    tpu.enqueue_indirect_dma source(%dma_start3A_33 : memref<1000000x64xf32, #tpu.memory_space<hbm>>) target(%dma_start3A_27 : memref<128x64xf32, #tpu.memory_space<vmem>>) offsets(%dma_start3A_30 : memref<128xi32, #tpu.memory_space<vmem>>) semaphore(%arg7 : memref<!tpu.dma_semaphore, #tpu.memory_space<semaphore_mem>>)
    %dma_start3A_34 = arith.constant 3 : i32
    %dma_start3A_35 = arith.constant 384 : i32
    %dma_start3A_36 = arith.constant 0 : i32
    %dma_start3A_37 = tpu.memref_slice %arg6[%dma_start3A_35, %dma_start3A_36] : memref<512x64xf32, #tpu.memory_space<vmem>> -> memref<128x64xf32, #tpu.memory_space<vmem>>
    %dma_start3A_38 = arith.constant 0 : i32
    %dma_start3A_39 = tpu.memref_slice %arg5[%dma_start3A_34, %dma_start3A_38] : memref<4x128xi32, #tpu.memory_space<vmem>> -> memref<1x128xi32, #tpu.memory_space<vmem>>
    %dma_start3A_40 = tpu.memref_squeeze %dma_start3A_39 : memref<1x128xi32, #tpu.memory_space<vmem>> -> memref<128xi32, #tpu.memory_space<vmem>>
    %dma_start3A_41 = arith.constant 0 : i32
    %dma_start3A_42 = arith.constant 0 : i32
    %dma_start3A_43 = tpu.memref_slice %arg3[%dma_start3A_41, %dma_start3A_42] : memref<1000000x64xf32, #tpu.memory_space<hbm>> -> memref<1000000x64xf32, #tpu.memory_space<hbm>>
    tpu.enqueue_indirect_dma source(%dma_start3A_43 : memref<1000000x64xf32, #tpu.memory_space<hbm>>) target(%dma_start3A_37 : memref<128x64xf32, #tpu.memory_space<vmem>>) offsets(%dma_start3A_40 : memref<128xi32, #tpu.memory_space<vmem>>) semaphore(%arg7 : memref<!tpu.dma_semaphore, #tpu.memory_space<semaphore_mem>>)
    %dma_wait3A = arith.constant 0 : i32
    %dma_wait3A_44 = arith.constant 0 : i32
    %dma_wait3A_45 = arith.constant 0 : i32
    %dma_wait3A_46 = tpu.memref_slice %arg6[%dma_wait3A_44, %dma_wait3A_45] : memref<512x64xf32, #tpu.memory_space<vmem>> -> memref<128x64xf32, #tpu.memory_space<vmem>>
    %dma_wait3A_47 = arith.constant 0 : i32
    %dma_wait3A_48 = tpu.memref_slice %arg5[%dma_wait3A, %dma_wait3A_47] : memref<4x128xi32, #tpu.memory_space<vmem>> -> memref<1x128xi32, #tpu.memory_space<vmem>>
    %dma_wait3A_49 = tpu.memref_squeeze %dma_wait3A_48 : memref<1x128xi32, #tpu.memory_space<vmem>> -> memref<128xi32, #tpu.memory_space<vmem>>
    %dma_wait3A_50 = arith.constant 0 : i32
    %dma_wait3A_51 = arith.constant 0 : i32
    %dma_wait3A_52 = tpu.memref_slice %arg3[%dma_wait3A_50, %dma_wait3A_51] : memref<1000000x64xf32, #tpu.memory_space<hbm>> -> memref<1000000x64xf32, #tpu.memory_space<hbm>>
    tpu.wait_indirect_dma semaphore(%arg7 : memref<!tpu.dma_semaphore, #tpu.memory_space<semaphore_mem>>) src(%dma_wait3A_52 : memref<1000000x64xf32, #tpu.memory_space<hbm>>) dst(%dma_wait3A_46 : memref<128x64xf32, #tpu.memory_space<vmem>>)
    %dma_wait3A_53 = arith.constant 1 : i32
    %dma_wait3A_54 = arith.constant 128 : i32
    %dma_wait3A_55 = arith.constant 0 : i32
    %dma_wait3A_56 = tpu.memref_slice %arg6[%dma_wait3A_54, %dma_wait3A_55] : memref<512x64xf32, #tpu.memory_space<vmem>> -> memref<128x64xf32, #tpu.memory_space<vmem>>
    %dma_wait3A_57 = arith.constant 0 : i32
    %dma_wait3A_58 = tpu.memref_slice %arg5[%dma_wait3A_53, %dma_wait3A_57] : memref<4x128xi32, #tpu.memory_space<vmem>> -> memref<1x128xi32, #tpu.memory_space<vmem>>
    %dma_wait3A_59 = tpu.memref_squeeze %dma_wait3A_58 : memref<1x128xi32, #tpu.memory_space<vmem>> -> memref<128xi32, #tpu.memory_space<vmem>>
    %dma_wait3A_60 = arith.constant 0 : i32
    %dma_wait3A_61 = arith.constant 0 : i32
    %dma_wait3A_62 = tpu.memref_slice %arg3[%dma_wait3A_60, %dma_wait3A_61] : memref<1000000x64xf32, #tpu.memory_space<hbm>> -> memref<1000000x64xf32, #tpu.memory_space<hbm>>
    tpu.wait_indirect_dma semaphore(%arg7 : memref<!tpu.dma_semaphore, #tpu.memory_space<semaphore_mem>>) src(%dma_wait3A_62 : memref<1000000x64xf32, #tpu.memory_space<hbm>>) dst(%dma_wait3A_56 : memref<128x64xf32, #tpu.memory_space<vmem>>)
    %dma_wait3A_63 = arith.constant 2 : i32
    %dma_wait3A_64 = arith.constant 256 : i32
    %dma_wait3A_65 = arith.constant 0 : i32
    %dma_wait3A_66 = tpu.memref_slice %arg6[%dma_wait3A_64, %dma_wait3A_65] : memref<512x64xf32, #tpu.memory_space<vmem>> -> memref<128x64xf32, #tpu.memory_space<vmem>>
    %dma_wait3A_67 = arith.constant 0 : i32
    %dma_wait3A_68 = tpu.memref_slice %arg5[%dma_wait3A_63, %dma_wait3A_67] : memref<4x128xi32, #tpu.memory_space<vmem>> -> memref<1x128xi32, #tpu.memory_space<vmem>>
    %dma_wait3A_69 = tpu.memref_squeeze %dma_wait3A_68 : memref<1x128xi32, #tpu.memory_space<vmem>> -> memref<128xi32, #tpu.memory_space<vmem>>
    %dma_wait3A_70 = arith.constant 0 : i32
    %dma_wait3A_71 = arith.constant 0 : i32
    %dma_wait3A_72 = tpu.memref_slice %arg3[%dma_wait3A_70, %dma_wait3A_71] : memref<1000000x64xf32, #tpu.memory_space<hbm>> -> memref<1000000x64xf32, #tpu.memory_space<hbm>>
    tpu.wait_indirect_dma semaphore(%arg7 : memref<!tpu.dma_semaphore, #tpu.memory_space<semaphore_mem>>) src(%dma_wait3A_72 : memref<1000000x64xf32, #tpu.memory_space<hbm>>) dst(%dma_wait3A_66 : memref<128x64xf32, #tpu.memory_space<vmem>>)
    %dma_wait3A_73 = arith.constant 3 : i32
    %dma_wait3A_74 = arith.constant 384 : i32
    %dma_wait3A_75 = arith.constant 0 : i32
    %dma_wait3A_76 = tpu.memref_slice %arg6[%dma_wait3A_74, %dma_wait3A_75] : memref<512x64xf32, #tpu.memory_space<vmem>> -> memref<128x64xf32, #tpu.memory_space<vmem>>
    %dma_wait3A_77 = arith.constant 0 : i32
    %dma_wait3A_78 = tpu.memref_slice %arg5[%dma_wait3A_73, %dma_wait3A_77] : memref<4x128xi32, #tpu.memory_space<vmem>> -> memref<1x128xi32, #tpu.memory_space<vmem>>
    %dma_wait3A_79 = tpu.memref_squeeze %dma_wait3A_78 : memref<1x128xi32, #tpu.memory_space<vmem>> -> memref<128xi32, #tpu.memory_space<vmem>>
    %dma_wait3A_80 = arith.constant 0 : i32
    %dma_wait3A_81 = arith.constant 0 : i32
    %dma_wait3A_82 = tpu.memref_slice %arg3[%dma_wait3A_80, %dma_wait3A_81] : memref<1000000x64xf32, #tpu.memory_space<hbm>> -> memref<1000000x64xf32, #tpu.memory_space<hbm>>
    tpu.wait_indirect_dma semaphore(%arg7 : memref<!tpu.dma_semaphore, #tpu.memory_space<semaphore_mem>>) src(%dma_wait3A_82 : memref<1000000x64xf32, #tpu.memory_space<hbm>>) dst(%dma_wait3A_76 : memref<128x64xf32, #tpu.memory_space<vmem>>)
    "tpu.region"() ({
      %run_scoped3A = tpu.sem_alloc : memref<!tpu.dma_semaphore, #tpu.memory_space<semaphore_mem>>
      %dma_start3A_83 = arith.constant 0 : i32
      %dma_start3A_84 = tpu.memref_slice %arg4[%mul3A_2, %dma_start3A_83] : memref<16384x64xf32, #tpu.memory_space<hbm>> -> memref<512x64xf32, #tpu.memory_space<hbm>>
      %dma_start3A_85 = arith.constant 0 : i32
      %dma_start3A_86 = tpu.memref_slice %arg4[%mul3A_2, %dma_start3A_85] : memref<16384x64xf32, #tpu.memory_space<hbm>> -> memref<512x64xf32, #tpu.memory_space<hbm>>
      tpu.enqueue_dma source(%arg6 : memref<512x64xf32, #tpu.memory_space<vmem>>) target(%dma_start3A_86 : memref<512x64xf32, #tpu.memory_space<hbm>>) target_semaphore(%run_scoped3A : memref<!tpu.dma_semaphore, #tpu.memory_space<semaphore_mem>>)
      %dma_wait3A_87 = arith.constant 0 : i32
      %dma_wait3A_88 = tpu.memref_slice %arg4[%mul3A_2, %dma_wait3A_87] : memref<16384x64xf32, #tpu.memory_space<hbm>> -> memref<512x64xf32, #tpu.memory_space<hbm>>
      %dma_wait3A_89 = arith.constant 0 : i32
      %dma_wait3A_90 = tpu.memref_slice %arg4[%mul3A_2, %dma_wait3A_89] : memref<16384x64xf32, #tpu.memory_space<hbm>> -> memref<512x64xf32, #tpu.memory_space<hbm>>
      tpu.wait_dma2 semaphore(%run_scoped3A : memref<!tpu.dma_semaphore, #tpu.memory_space<semaphore_mem>>) src(%arg6 : memref<512x64xf32, #tpu.memory_space<vmem>>) dst(%dma_wait3A_90 : memref<512x64xf32, #tpu.memory_space<hbm>>)
      tpu.yield
    }) : () -> ()
    return
  }
}

#map = affine_map<(d0, d1) -> (0, 0)>
module attributes {stable_mosaic.version = 14 : i64} {
  func.func @_gather_body(%arg0: i32, %arg1: i32, %arg2: memref<128x128xi32, #tpu.memory_space<hbm>>, %arg3: memref<1000000x64xf32, #tpu.memory_space<hbm>>, %arg4: memref<16384x64xf32, #tpu.memory_space<hbm>>, %arg5: memref<4x128xi32, #tpu.memory_space<vmem>>, %arg6: memref<512x64xf32, #tpu.memory_space<vmem>>, %arg7: memref<!tpu.dma_semaphore, #tpu.memory_space<semaphore_mem>>) attributes {dimension_semantics = [#tpu.dimension_semantics<core_parallel>, #tpu.dimension_semantics<subcore_parallel>], iteration_bounds = array<i64: 2, 16>, scalar_prefetch = 0 : i64, scratch_operands = 3 : i64, tpu.core_type = #tpu.core_type<sc_vector_subcore>, window_params = [{transform_indices = #map}, {transform_indices = #map}, {transform_indices = #map}]} {
    %mul3A = arith.constant 2 : i32
    %mul3A_0 = arith.muli %arg1, %mul3A : i32
    %add3A = arith.addi %mul3A_0, %arg0 : i32
    %mul3A_1 = arith.constant 512 : i32
    %mul3A_2 = arith.muli %add3A, %mul3A_1 : i32
    %mul3A_3 = arith.constant 4 : i32
    %mul3A_4 = arith.muli %add3A, %mul3A_3 : i32
    "tpu.region"() ({
      %run_scoped3A = tpu.sem_alloc : memref<!tpu.dma_semaphore, #tpu.memory_space<semaphore_mem>>
      %dma_start3A_83 = arith.constant 0 : i32
      %dma_start3A_84 = tpu.memref_slice %arg2[%mul3A_4, %dma_start3A_83] : memref<128x128xi32, #tpu.memory_space<hbm>> -> memref<4x128xi32, #tpu.memory_space<hbm>>
      %dma_start3A_85 = arith.constant 0 : i32
      %dma_start3A_86 = tpu.memref_slice %arg2[%mul3A_4, %dma_start3A_85] : memref<128x128xi32, #tpu.memory_space<hbm>> -> memref<4x128xi32, #tpu.memory_space<hbm>>
      tpu.enqueue_dma source(%dma_start3A_86 : memref<4x128xi32, #tpu.memory_space<hbm>>) target(%arg5 : memref<4x128xi32, #tpu.memory_space<vmem>>) target_semaphore(%run_scoped3A : memref<!tpu.dma_semaphore, #tpu.memory_space<semaphore_mem>>)
      %dma_wait3A_87 = arith.constant 0 : i32
      %dma_wait3A_88 = tpu.memref_slice %arg2[%mul3A_4, %dma_wait3A_87] : memref<128x128xi32, #tpu.memory_space<hbm>> -> memref<4x128xi32, #tpu.memory_space<hbm>>
      %dma_wait3A_89 = arith.constant 0 : i32
      %dma_wait3A_90 = tpu.memref_slice %arg2[%mul3A_4, %dma_wait3A_89] : memref<128x128xi32, #tpu.memory_space<hbm>> -> memref<4x128xi32, #tpu.memory_space<hbm>>
      tpu.wait_dma2 semaphore(%run_scoped3A : memref<!tpu.dma_semaphore, #tpu.memory_space<semaphore_mem>>) src(%dma_wait3A_90 : memref<4x128xi32, #tpu.memory_space<hbm>>) dst(%arg5 : memref<4x128xi32, #tpu.memory_space<vmem>>)
      tpu.yield
    }) : () -> ()
    %dma_start3A = arith.constant 0 : i32
    %dma_start3A_5 = arith.constant 0 : i32
    %dma_start3A_6 = arith.constant 0 : i32
    %dma_start3A_7 = tpu.memref_slice %arg6[%dma_start3A_5, %dma_start3A_6] : memref<512x64xf32, #tpu.memory_space<vmem>> -> memref<128x64xf32, #tpu.memory_space<vmem>>
    %dma_start3A_8 = arith.constant 0 : i32
    %dma_start3A_9 = tpu.memref_slice %arg5[%dma_start3A, %dma_start3A_8] : memref<4x128xi32, #tpu.memory_space<vmem>> -> memref<1x128xi32, #tpu.memory_space<vmem>>
    %dma_start3A_10 = tpu.memref_squeeze %dma_start3A_9 : memref<1x128xi32, #tpu.memory_space<vmem>> -> memref<128xi32, #tpu.memory_space<vmem>>
    %dma_start3A_11 = arith.constant 0 : i32
    %dma_start3A_12 = arith.constant 0 : i32
    %dma_start3A_13 = tpu.memref_slice %arg3[%dma_start3A_11, %dma_start3A_12] : memref<1000000x64xf32, #tpu.memory_space<hbm>> -> memref<1000000x64xf32, #tpu.memory_space<hbm>>
    tpu.enqueue_indirect_dma source(%dma_start3A_13 : memref<1000000x64xf32, #tpu.memory_space<hbm>>) target(%dma_start3A_7 : memref<128x64xf32, #tpu.memory_space<vmem>>) offsets(%dma_start3A_10 : memref<128xi32, #tpu.memory_space<vmem>>) semaphore(%arg7 : memref<!tpu.dma_semaphore, #tpu.memory_space<semaphore_mem>>)
    %dma_start3A_14 = arith.constant 1 : i32
    %dma_start3A_15 = arith.constant 128 : i32
    %dma_start3A_16 = arith.constant 0 : i32
    %dma_start3A_17 = tpu.memref_slice %arg6[%dma_start3A_15, %dma_start3A_16] : memref<512x64xf32, #tpu.memory_space<vmem>> -> memref<128x64xf32, #tpu.memory_space<vmem>>
    %dma_start3A_18 = arith.constant 0 : i32
    %dma_start3A_19 = tpu.memref_slice %arg5[%dma_start3A_14, %dma_start3A_18] : memref<4x128xi32, #tpu.memory_space<vmem>> -> memref<1x128xi32, #tpu.memory_space<vmem>>
    %dma_start3A_20 = tpu.memref_squeeze %dma_start3A_19 : memref<1x128xi32, #tpu.memory_space<vmem>> -> memref<128xi32, #tpu.memory_space<vmem>>
    %dma_start3A_21 = arith.constant 0 : i32
    %dma_start3A_22 = arith.constant 0 : i32
    %dma_start3A_23 = tpu.memref_slice %arg3[%dma_start3A_21, %dma_start3A_22] : memref<1000000x64xf32, #tpu.memory_space<hbm>> -> memref<1000000x64xf32, #tpu.memory_space<hbm>>
    tpu.enqueue_indirect_dma source(%dma_start3A_23 : memref<1000000x64xf32, #tpu.memory_space<hbm>>) target(%dma_start3A_17 : memref<128x64xf32, #tpu.memory_space<vmem>>) offsets(%dma_start3A_20 : memref<128xi32, #tpu.memory_space<vmem>>) semaphore(%arg7 : memref<!tpu.dma_semaphore, #tpu.memory_space<semaphore_mem>>)
    %dma_start3A_24 = arith.constant 2 : i32
    %dma_start3A_25 = arith.constant 256 : i32
    %dma_start3A_26 = arith.constant 0 : i32
    %dma_start3A_27 = tpu.memref_slice %arg6[%dma_start3A_25, %dma_start3A_26] : memref<512x64xf32, #tpu.memory_space<vmem>> -> memref<128x64xf32, #tpu.memory_space<vmem>>
    %dma_start3A_28 = arith.constant 0 : i32
    %dma_start3A_29 = tpu.memref_slice %arg5[%dma_start3A_24, %dma_start3A_28] : memref<4x128xi32, #tpu.memory_space<vmem>> -> memref<1x128xi32, #tpu.memory_space<vmem>>
    %dma_start3A_30 = tpu.memref_squeeze %dma_start3A_29 : memref<1x128xi32, #tpu.memory_space<vmem>> -> memref<128xi32, #tpu.memory_space<vmem>>
    %dma_start3A_31 = arith.constant 0 : i32
    %dma_start3A_32 = arith.constant 0 : i32
    %dma_start3A_33 = tpu.memref_slice %arg3[%dma_start3A_31, %dma_start3A_32] : memref<1000000x64xf32, #tpu.memory_space<hbm>> -> memref<1000000x64xf32, #tpu.memory_space<hbm>>
    tpu.enqueue_indirect_dma source(%dma_start3A_33 : memref<1000000x64xf32, #tpu.memory_space<hbm>>) target(%dma_start3A_27 : memref<128x64xf32, #tpu.memory_space<vmem>>) offsets(%dma_start3A_30 : memref<128xi32, #tpu.memory_space<vmem>>) semaphore(%arg7 : memref<!tpu.dma_semaphore, #tpu.memory_space<semaphore_mem>>)
    %dma_start3A_34 = arith.constant 3 : i32
    %dma_start3A_35 = arith.constant 384 : i32
    %dma_start3A_36 = arith.constant 0 : i32
    %dma_start3A_37 = tpu.memref_slice %arg6[%dma_start3A_35, %dma_start3A_36] : memref<512x64xf32, #tpu.memory_space<vmem>> -> memref<128x64xf32, #tpu.memory_space<vmem>>
    %dma_start3A_38 = arith.constant 0 : i32
    %dma_start3A_39 = tpu.memref_slice %arg5[%dma_start3A_34, %dma_start3A_38] : memref<4x128xi32, #tpu.memory_space<vmem>> -> memref<1x128xi32, #tpu.memory_space<vmem>>
    %dma_start3A_40 = tpu.memref_squeeze %dma_start3A_39 : memref<1x128xi32, #tpu.memory_space<vmem>> -> memref<128xi32, #tpu.memory_space<vmem>>
    %dma_start3A_41 = arith.constant 0 : i32
    %dma_start3A_42 = arith.constant 0 : i32
    %dma_start3A_43 = tpu.memref_slice %arg3[%dma_start3A_41, %dma_start3A_42] : memref<1000000x64xf32, #tpu.memory_space<hbm>> -> memref<1000000x64xf32, #tpu.memory_space<hbm>>
    tpu.enqueue_indirect_dma source(%dma_start3A_43 : memref<1000000x64xf32, #tpu.memory_space<hbm>>) target(%dma_start3A_37 : memref<128x64xf32, #tpu.memory_space<vmem>>) offsets(%dma_start3A_40 : memref<128xi32, #tpu.memory_space<vmem>>) semaphore(%arg7 : memref<!tpu.dma_semaphore, #tpu.memory_space<semaphore_mem>>)
    %dma_wait3A = arith.constant 0 : i32
    %dma_wait3A_44 = arith.constant 0 : i32
    %dma_wait3A_45 = arith.constant 0 : i32
    %dma_wait3A_46 = tpu.memref_slice %arg6[%dma_wait3A_44, %dma_wait3A_45] : memref<512x64xf32, #tpu.memory_space<vmem>> -> memref<128x64xf32, #tpu.memory_space<vmem>>
    %dma_wait3A_47 = arith.constant 0 : i32
    %dma_wait3A_48 = tpu.memref_slice %arg5[%dma_wait3A, %dma_wait3A_47] : memref<4x128xi32, #tpu.memory_space<vmem>> -> memref<1x128xi32, #tpu.memory_space<vmem>>
    %dma_wait3A_49 = tpu.memref_squeeze %dma_wait3A_48 : memref<1x128xi32, #tpu.memory_space<vmem>> -> memref<128xi32, #tpu.memory_space<vmem>>
    %dma_wait3A_50 = arith.constant 0 : i32
    %dma_wait3A_51 = arith.constant 0 : i32
    %dma_wait3A_52 = tpu.memref_slice %arg3[%dma_wait3A_50, %dma_wait3A_51] : memref<1000000x64xf32, #tpu.memory_space<hbm>> -> memref<1000000x64xf32, #tpu.memory_space<hbm>>
    tpu.wait_indirect_dma semaphore(%arg7 : memref<!tpu.dma_semaphore, #tpu.memory_space<semaphore_mem>>) src(%dma_wait3A_52 : memref<1000000x64xf32, #tpu.memory_space<hbm>>) dst(%dma_wait3A_46 : memref<128x64xf32, #tpu.memory_space<vmem>>)
    %dma_wait3A_53 = arith.constant 1 : i32
    %dma_wait3A_54 = arith.constant 128 : i32
    %dma_wait3A_55 = arith.constant 0 : i32
    %dma_wait3A_56 = tpu.memref_slice %arg6[%dma_wait3A_54, %dma_wait3A_55] : memref<512x64xf32, #tpu.memory_space<vmem>> -> memref<128x64xf32, #tpu.memory_space<vmem>>
    %dma_wait3A_57 = arith.constant 0 : i32
    %dma_wait3A_58 = tpu.memref_slice %arg5[%dma_wait3A_53, %dma_wait3A_57] : memref<4x128xi32, #tpu.memory_space<vmem>> -> memref<1x128xi32, #tpu.memory_space<vmem>>
    %dma_wait3A_59 = tpu.memref_squeeze %dma_wait3A_58 : memref<1x128xi32, #tpu.memory_space<vmem>> -> memref<128xi32, #tpu.memory_space<vmem>>
    %dma_wait3A_60 = arith.constant 0 : i32
    %dma_wait3A_61 = arith.constant 0 : i32
    %dma_wait3A_62 = tpu.memref_slice %arg3[%dma_wait3A_60, %dma_wait3A_61] : memref<1000000x64xf32, #tpu.memory_space<hbm>> -> memref<1000000x64xf32, #tpu.memory_space<hbm>>
    tpu.wait_indirect_dma semaphore(%arg7 : memref<!tpu.dma_semaphore, #tpu.memory_space<semaphore_mem>>) src(%dma_wait3A_62 : memref<1000000x64xf32, #tpu.memory_space<hbm>>) dst(%dma_wait3A_56 : memref<128x64xf32, #tpu.memory_space<vmem>>)
    %dma_wait3A_63 = arith.constant 2 : i32
    %dma_wait3A_64 = arith.constant 256 : i32
    %dma_wait3A_65 = arith.constant 0 : i32
    %dma_wait3A_66 = tpu.memref_slice %arg6[%dma_wait3A_64, %dma_wait3A_65] : memref<512x64xf32, #tpu.memory_space<vmem>> -> memref<128x64xf32, #tpu.memory_space<vmem>>
    %dma_wait3A_67 = arith.constant 0 : i32
    %dma_wait3A_68 = tpu.memref_slice %arg5[%dma_wait3A_63, %dma_wait3A_67] : memref<4x128xi32, #tpu.memory_space<vmem>> -> memref<1x128xi32, #tpu.memory_space<vmem>>
    %dma_wait3A_69 = tpu.memref_squeeze %dma_wait3A_68 : memref<1x128xi32, #tpu.memory_space<vmem>> -> memref<128xi32, #tpu.memory_space<vmem>>
    %dma_wait3A_70 = arith.constant 0 : i32
    %dma_wait3A_71 = arith.constant 0 : i32
    %dma_wait3A_72 = tpu.memref_slice %arg3[%dma_wait3A_70, %dma_wait3A_71] : memref<1000000x64xf32, #tpu.memory_space<hbm>> -> memref<1000000x64xf32, #tpu.memory_space<hbm>>
    tpu.wait_indirect_dma semaphore(%arg7 : memref<!tpu.dma_semaphore, #tpu.memory_space<semaphore_mem>>) src(%dma_wait3A_72 : memref<1000000x64xf32, #tpu.memory_space<hbm>>) dst(%dma_wait3A_66 : memref<128x64xf32, #tpu.memory_space<vmem>>)
    %dma_wait3A_73 = arith.constant 3 : i32
    %dma_wait3A_74 = arith.constant 384 : i32
    %dma_wait3A_75 = arith.constant 0 : i32
    %dma_wait3A_76 = tpu.memref_slice %arg6[%dma_wait3A_74, %dma_wait3A_75] : memref<512x64xf32, #tpu.memory_space<vmem>> -> memref<128x64xf32, #tpu.memory_space<vmem>>
    %dma_wait3A_77 = arith.constant 0 : i32
    %dma_wait3A_78 = tpu.memref_slice %arg5[%dma_wait3A_73, %dma_wait3A_77] : memref<4x128xi32, #tpu.memory_space<vmem>> -> memref<1x128xi32, #tpu.memory_space<vmem>>
    %dma_wait3A_79 = tpu.memref_squeeze %dma_wait3A_78 : memref<1x128xi32, #tpu.memory_space<vmem>> -> memref<128xi32, #tpu.memory_space<vmem>>
    %dma_wait3A_80 = arith.constant 0 : i32
    %dma_wait3A_81 = arith.constant 0 : i32
    %dma_wait3A_82 = tpu.memref_slice %arg3[%dma_wait3A_80, %dma_wait3A_81] : memref<1000000x64xf32, #tpu.memory_space<hbm>> -> memref<1000000x64xf32, #tpu.memory_space<hbm>>
    tpu.wait_indirect_dma semaphore(%arg7 : memref<!tpu.dma_semaphore, #tpu.memory_space<semaphore_mem>>) src(%dma_wait3A_82 : memref<1000000x64xf32, #tpu.memory_space<hbm>>) dst(%dma_wait3A_76 : memref<128x64xf32, #tpu.memory_space<vmem>>)
    "tpu.region"() ({
      %run_scoped3A = tpu.sem_alloc : memref<!tpu.dma_semaphore, #tpu.memory_space<semaphore_mem>>
      %dma_start3A_83 = arith.constant 0 : i32
      %dma_start3A_84 = tpu.memref_slice %arg4[%mul3A_2, %dma_start3A_83] : memref<16384x64xf32, #tpu.memory_space<hbm>> -> memref<512x64xf32, #tpu.memory_space<hbm>>
      %dma_start3A_85 = arith.constant 0 : i32
      %dma_start3A_86 = tpu.memref_slice %arg4[%mul3A_2, %dma_start3A_85] : memref<16384x64xf32, #tpu.memory_space<hbm>> -> memref<512x64xf32, #tpu.memory_space<hbm>>
      tpu.enqueue_dma source(%arg6 : memref<512x64xf32, #tpu.memory_space<vmem>>) target(%dma_start3A_86 : memref<512x64xf32, #tpu.memory_space<hbm>>) target_semaphore(%run_scoped3A : memref<!tpu.dma_semaphore, #tpu.memory_space<semaphore_mem>>)
      %dma_wait3A_87 = arith.constant 0 : i32
      %dma_wait3A_88 = tpu.memref_slice %arg4[%mul3A_2, %dma_wait3A_87] : memref<16384x64xf32, #tpu.memory_space<hbm>> -> memref<512x64xf32, #tpu.memory_space<hbm>>
      %dma_wait3A_89 = arith.constant 0 : i32
      %dma_wait3A_90 = tpu.memref_slice %arg4[%mul3A_2, %dma_wait3A_89] : memref<16384x64xf32, #tpu.memory_space<hbm>> -> memref<512x64xf32, #tpu.memory_space<hbm>>
      tpu.wait_dma2 semaphore(%run_scoped3A : memref<!tpu.dma_semaphore, #tpu.memory_space<semaphore_mem>>) src(%arg6 : memref<512x64xf32, #tpu.memory_space<vmem>>) dst(%dma_wait3A_90 : memref<512x64xf32, #tpu.memory_space<hbm>>)
      tpu.yield
    }) : () -> ()
    return
  }
}

#map = affine_map<(d0, d1) -> (0, 0)>
#map1 = affine_map<(d0, d1) -> (0)>
module attributes {stable_mosaic.version = 14 : i64} {
  func.func @_dot_body(%arg0: i32, %arg1: i32, %arg2: memref<16384x64xf32, #tpu.memory_space<hbm>>, %arg3: memref<16384x64xf32, #tpu.memory_space<hbm>>, %arg4: memref<16384xf32, #tpu.memory_space<hbm>>, %arg5: memref<512x64xf32, #tpu.memory_space<vmem>>, %arg6: memref<512x64xf32, #tpu.memory_space<vmem>>, %arg7: memref<512xf32, #tpu.memory_space<vmem>>, %arg8: memref<!tpu.dma_semaphore, #tpu.memory_space<semaphore_mem>>) attributes {dimension_semantics = [#tpu.dimension_semantics<core_parallel>, #tpu.dimension_semantics<subcore_parallel>], iteration_bounds = array<i64: 2, 16>, scalar_prefetch = 0 : i64, scratch_operands = 4 : i64, tpu.core_type = #tpu.core_type<sc_vector_subcore>, window_params = [{transform_indices = #map}, {transform_indices = #map}, {transform_indices = #map1}]} {
    %mul3A = arith.constant 2 : i32
    %mul3A_0 = arith.muli %arg1, %mul3A : i32
    %add3A = arith.addi %mul3A_0, %arg0 : i32
    %mul3A_1 = arith.constant 512 : i32
    %mul3A_2 = arith.muli %add3A, %mul3A_1 : i32
    "tpu.region"() ({
      %run_scoped3A = tpu.sem_alloc : memref<!tpu.dma_semaphore, #tpu.memory_space<semaphore_mem>>
      %dma_start3A = arith.constant 0 : i32
      %dma_start3A_8 = tpu.memref_slice %arg2[%mul3A_2, %dma_start3A] : memref<16384x64xf32, #tpu.memory_space<hbm>> -> memref<512x64xf32, #tpu.memory_space<hbm>>
      %dma_start3A_9 = arith.constant 0 : i32
      %dma_start3A_10 = tpu.memref_slice %arg2[%mul3A_2, %dma_start3A_9] : memref<16384x64xf32, #tpu.memory_space<hbm>> -> memref<512x64xf32, #tpu.memory_space<hbm>>
      tpu.enqueue_dma source(%dma_start3A_10 : memref<512x64xf32, #tpu.memory_space<hbm>>) target(%arg5 : memref<512x64xf32, #tpu.memory_space<vmem>>) target_semaphore(%run_scoped3A : memref<!tpu.dma_semaphore, #tpu.memory_space<semaphore_mem>>)
      %dma_wait3A = arith.constant 0 : i32
      %dma_wait3A_11 = tpu.memref_slice %arg2[%mul3A_2, %dma_wait3A] : memref<16384x64xf32, #tpu.memory_space<hbm>> -> memref<512x64xf32, #tpu.memory_space<hbm>>
      %dma_wait3A_12 = arith.constant 0 : i32
      %dma_wait3A_13 = tpu.memref_slice %arg2[%mul3A_2, %dma_wait3A_12] : memref<16384x64xf32, #tpu.memory_space<hbm>> -> memref<512x64xf32, #tpu.memory_space<hbm>>
      tpu.wait_dma2 semaphore(%run_scoped3A : memref<!tpu.dma_semaphore, #tpu.memory_space<semaphore_mem>>) src(%dma_wait3A_13 : memref<512x64xf32, #tpu.memory_space<hbm>>) dst(%arg5 : memref<512x64xf32, #tpu.memory_space<vmem>>)
      tpu.yield
    }) : () -> ()
    "tpu.region"() ({
      %run_scoped3A = tpu.sem_alloc : memref<!tpu.dma_semaphore, #tpu.memory_space<semaphore_mem>>
      %dma_start3A = arith.constant 0 : i32
      %dma_start3A_8 = tpu.memref_slice %arg3[%mul3A_2, %dma_start3A] : memref<16384x64xf32, #tpu.memory_space<hbm>> -> memref<512x64xf32, #tpu.memory_space<hbm>>
      %dma_start3A_9 = arith.constant 0 : i32
      %dma_start3A_10 = tpu.memref_slice %arg3[%mul3A_2, %dma_start3A_9] : memref<16384x64xf32, #tpu.memory_space<hbm>> -> memref<512x64xf32, #tpu.memory_space<hbm>>
      tpu.enqueue_dma source(%dma_start3A_10 : memref<512x64xf32, #tpu.memory_space<hbm>>) target(%arg6 : memref<512x64xf32, #tpu.memory_space<vmem>>) target_semaphore(%run_scoped3A : memref<!tpu.dma_semaphore, #tpu.memory_space<semaphore_mem>>)
      %dma_wait3A = arith.constant 0 : i32
      %dma_wait3A_11 = tpu.memref_slice %arg3[%mul3A_2, %dma_wait3A] : memref<16384x64xf32, #tpu.memory_space<hbm>> -> memref<512x64xf32, #tpu.memory_space<hbm>>
      %dma_wait3A_12 = arith.constant 0 : i32
      %dma_wait3A_13 = tpu.memref_slice %arg3[%mul3A_2, %dma_wait3A_12] : memref<16384x64xf32, #tpu.memory_space<hbm>> -> memref<512x64xf32, #tpu.memory_space<hbm>>
      tpu.wait_dma2 semaphore(%run_scoped3A : memref<!tpu.dma_semaphore, #tpu.memory_space<semaphore_mem>>) src(%dma_wait3A_13 : memref<512x64xf32, #tpu.memory_space<hbm>>) dst(%arg6 : memref<512x64xf32, #tpu.memory_space<vmem>>)
      tpu.yield
    }) : () -> ()
    %iota3A = tpu.iota {dimensions = array<i32: 0>} : vector<16xi32>
    %scan3A = arith.constant 0 : i32
    %scan3A_3 = arith.constant 0 : i32
    %scan3A_4 = arith.constant 32 : i32
    %scan3A_5 = arith.addi %scan3A_3, %scan3A_4 : i32
    %scan3A_6 = arith.constant 1 : i32
    scf.for %scan3A_8 = %scan3A_3 to %scan3A_5 step %scan3A_6  : i32 {
      %mul3A_9 = arith.constant 16 : i32
      %mul3A_10 = arith.muli %scan3A_8, %mul3A_9 : i32
      %broadcast_in_dim3A = arith.constant 0.000000e+00 : f32
      %broadcast_in_dim3A_11 = vector.broadcast %broadcast_in_dim3A : f32 to vector<16xf32>
      %add3A_12 = arith.constant 0 : i32
      %add3A_13 = arith.addi %mul3A_10, %add3A_12 : i32
      %broadcast_in_dim3A_14 = arith.constant 0.000000e+00 : f32
      %broadcast_in_dim3A_15 = vector.broadcast %broadcast_in_dim3A_14 : f32 to vector<16xf32>
      %get3A = arith.index_cast %add3A_13 : i32 to index
      %get3A_16 = arith.constant 0 : index
      %get3A_17 = tpu.vector_load %arg5[%get3A, %get3A_16] {strides = array<i32>} : memref<512x64xf32, #tpu.memory_space<vmem>>, vector<16xf32>,
      %get3A_18 = arith.index_cast %add3A_13 : i32 to index
      %get3A_19 = arith.constant 0 : index
      %get3A_20 = tpu.vector_load %arg6[%get3A_18, %get3A_19] {strides = array<i32>} : memref<512x64xf32, #tpu.memory_space<vmem>>, vector<16xf32>,
      %mul3A_21 = arith.mulf %get3A_17, %get3A_20 : vector<16xf32>
      %add3A_22 = arith.addf %broadcast_in_dim3A_15, %mul3A_21 : vector<16xf32>
      %get3A_23 = arith.index_cast %add3A_13 : i32 to index
      %get3A_24 = arith.constant 16 : index
      %get3A_25 = tpu.vector_load %arg5[%get3A_23, %get3A_24] {strides = array<i32>} : memref<512x64xf32, #tpu.memory_space<vmem>>, vector<16xf32>,
      %get3A_26 = arith.index_cast %add3A_13 : i32 to index
      %get3A_27 = arith.constant 16 : index
      %get3A_28 = tpu.vector_load %arg6[%get3A_26, %get3A_27] {strides = array<i32>} : memref<512x64xf32, #tpu.memory_space<vmem>>, vector<16xf32>,
      %mul3A_29 = arith.mulf %get3A_25, %get3A_28 : vector<16xf32>
      %add3A_30 = arith.addf %add3A_22, %mul3A_29 : vector<16xf32>
      %get3A_31 = arith.index_cast %add3A_13 : i32 to index
      %get3A_32 = arith.constant 32 : index
      %get3A_33 = tpu.vector_load %arg5[%get3A_31, %get3A_32] {strides = array<i32>} : memref<512x64xf32, #tpu.memory_space<vmem>>, vector<16xf32>,
      %get3A_34 = arith.index_cast %add3A_13 : i32 to index
      %get3A_35 = arith.constant 32 : index
      %get3A_36 = tpu.vector_load %arg6[%get3A_34, %get3A_35] {strides = array<i32>} : memref<512x64xf32, #tpu.memory_space<vmem>>, vector<16xf32>,
      %mul3A_37 = arith.mulf %get3A_33, %get3A_36 : vector<16xf32>
      %add3A_38 = arith.addf %add3A_30, %mul3A_37 : vector<16xf32>
      %get3A_39 = arith.index_cast %add3A_13 : i32 to index
      %get3A_40 = arith.constant 48 : index
      %get3A_41 = tpu.vector_load %arg5[%get3A_39, %get3A_40] {strides = array<i32>} : memref<512x64xf32, #tpu.memory_space<vmem>>, vector<16xf32>,
      %get3A_42 = arith.index_cast %add3A_13 : i32 to index
      %get3A_43 = arith.constant 48 : index
      %get3A_44 = tpu.vector_load %arg6[%get3A_42, %get3A_43] {strides = array<i32>} : memref<512x64xf32, #tpu.memory_space<vmem>>, vector<16xf32>,
      %mul3A_45 = arith.mulf %get3A_41, %get3A_44 : vector<16xf32>
      %add3A_46 = arith.addf %add3A_38, %mul3A_45 : vector<16xf32>
      %eq3A = arith.constant 0 : i32
      %eq3A_47 = vector.broadcast %eq3A : i32 to vector<16xi32>
      %eq3A_48 = arith.cmpi eq, %iota3A, %eq3A_47 : vector<16xi32>
      %reduce_sum3A = arith.constant true
      %reduce_sum3A_49 = vector.broadcast %reduce_sum3A : i1 to vector<16xi1>
      %reduce_sum3A_50 = tpu.scan <sum>, %add3A_46 masked %reduce_sum3A_49 : vector<16xf32>, vector<16xi1> -> vector<16xf32>
      %reduce_sum3A_51 = vector.extract %reduce_sum3A_50[15] : f32 from vector<16xf32>
      %broadcast_in_dim3A_52 = vector.broadcast %reduce_sum3A_51 : f32 to vector<16xf32>
      %select_n3A = arith.select %eq3A_48, %broadcast_in_dim3A_52, %broadcast_in_dim3A_11 : vector<16xi1>, vector<16xf32>
      %add3A_53 = arith.constant 1 : i32
      %add3A_54 = arith.addi %mul3A_10, %add3A_53 : i32
      %broadcast_in_dim3A_55 = arith.constant 0.000000e+00 : f32
      %broadcast_in_dim3A_56 = vector.broadcast %broadcast_in_dim3A_55 : f32 to vector<16xf32>
      %get3A_57 = arith.index_cast %add3A_54 : i32 to index
      %get3A_58 = arith.constant 0 : index
      %get3A_59 = tpu.vector_load %arg5[%get3A_57, %get3A_58] {strides = array<i32>} : memref<512x64xf32, #tpu.memory_space<vmem>>, vector<16xf32>,
      %get3A_60 = arith.index_cast %add3A_54 : i32 to index
      %get3A_61 = arith.constant 0 : index
      %get3A_62 = tpu.vector_load %arg6[%get3A_60, %get3A_61] {strides = array<i32>} : memref<512x64xf32, #tpu.memory_space<vmem>>, vector<16xf32>,
      %mul3A_63 = arith.mulf %get3A_59, %get3A_62 : vector<16xf32>
      %add3A_64 = arith.addf %broadcast_in_dim3A_56, %mul3A_63 : vector<16xf32>
      %get3A_65 = arith.index_cast %add3A_54 : i32 to index
      %get3A_66 = arith.constant 16 : index
      %get3A_67 = tpu.vector_load %arg5[%get3A_65, %get3A_66] {strides = array<i32>} : memref<512x64xf32, #tpu.memory_space<vmem>>, vector<16xf32>,
      %get3A_68 = arith.index_cast %add3A_54 : i32 to index
      %get3A_69 = arith.constant 16 : index
      %get3A_70 = tpu.vector_load %arg6[%get3A_68, %get3A_69] {strides = array<i32>} : memref<512x64xf32, #tpu.memory_space<vmem>>, vector<16xf32>,
      %mul3A_71 = arith.mulf %get3A_67, %get3A_70 : vector<16xf32>
      %add3A_72 = arith.addf %add3A_64, %mul3A_71 : vector<16xf32>
      %get3A_73 = arith.index_cast %add3A_54 : i32 to index
      %get3A_74 = arith.constant 32 : index
      %get3A_75 = tpu.vector_load %arg5[%get3A_73, %get3A_74] {strides = array<i32>} : memref<512x64xf32, #tpu.memory_space<vmem>>, vector<16xf32>,
      %get3A_76 = arith.index_cast %add3A_54 : i32 to index
      %get3A_77 = arith.constant 32 : index
      %get3A_78 = tpu.vector_load %arg6[%get3A_76, %get3A_77] {strides = array<i32>} : memref<512x64xf32, #tpu.memory_space<vmem>>, vector<16xf32>,
      %mul3A_79 = arith.mulf %get3A_75, %get3A_78 : vector<16xf32>
      %add3A_80 = arith.addf %add3A_72, %mul3A_79 : vector<16xf32>
      %get3A_81 = arith.index_cast %add3A_54 : i32 to index
      %get3A_82 = arith.constant 48 : index
      %get3A_83 = tpu.vector_load %arg5[%get3A_81, %get3A_82] {strides = array<i32>} : memref<512x64xf32, #tpu.memory_space<vmem>>, vector<16xf32>,
      %get3A_84 = arith.index_cast %add3A_54 : i32 to index
      %get3A_85 = arith.constant 48 : index
      %get3A_86 = tpu.vector_load %arg6[%get3A_84, %get3A_85] {strides = array<i32>} : memref<512x64xf32, #tpu.memory_space<vmem>>, vector<16xf32>,
      %mul3A_87 = arith.mulf %get3A_83, %get3A_86 : vector<16xf32>
      %add3A_88 = arith.addf %add3A_80, %mul3A_87 : vector<16xf32>
      %eq3A_89 = arith.constant 1 : i32
      %eq3A_90 = vector.broadcast %eq3A_89 : i32 to vector<16xi32>
      %eq3A_91 = arith.cmpi eq, %iota3A, %eq3A_90 : vector<16xi32>
      %reduce_sum3A_92 = arith.constant true
      %reduce_sum3A_93 = vector.broadcast %reduce_sum3A_92 : i1 to vector<16xi1>
      %reduce_sum3A_94 = tpu.scan <sum>, %add3A_88 masked %reduce_sum3A_93 : vector<16xf32>, vector<16xi1> -> vector<16xf32>
      %reduce_sum3A_95 = vector.extract %reduce_sum3A_94[15] : f32 from vector<16xf32>
      %broadcast_in_dim3A_96 = vector.broadcast %reduce_sum3A_95 : f32 to vector<16xf32>
      %select_n3A_97 = arith.select %eq3A_91, %broadcast_in_dim3A_96, %select_n3A : vector<16xi1>, vector<16xf32>
      %add3A_98 = arith.constant 2 : i32
      %add3A_99 = arith.addi %mul3A_10, %add3A_98 : i32
      %broadcast_in_dim3A_100 = arith.constant 0.000000e+00 : f32
      %broadcast_in_dim3A_101 = vector.broadcast %broadcast_in_dim3A_100 : f32 to vector<16xf32>
      %get3A_102 = arith.index_cast %add3A_99 : i32 to index
      %get3A_103 = arith.constant 0 : index
      %get3A_104 = tpu.vector_load %arg5[%get3A_102, %get3A_103] {strides = array<i32>} : memref<512x64xf32, #tpu.memory_space<vmem>>, vector<16xf32>,
      %get3A_105 = arith.index_cast %add3A_99 : i32 to index
      %get3A_106 = arith.constant 0 : index
      %get3A_107 = tpu.vector_load %arg6[%get3A_105, %get3A_106] {strides = array<i32>} : memref<512x64xf32, #tpu.memory_space<vmem>>, vector<16xf32>,
      %mul3A_108 = arith.mulf %get3A_104, %get3A_107 : vector<16xf32>
      %add3A_109 = arith.addf %broadcast_in_dim3A_101, %mul3A_108 : vector<16xf32>
      %get3A_110 = arith.index_cast %add3A_99 : i32 to index
      %get3A_111 = arith.constant 16 : index
      %get3A_112 = tpu.vector_load %arg5[%get3A_110, %get3A_111] {strides = array<i32>} : memref<512x64xf32, #tpu.memory_space<vmem>>, vector<16xf32>,
      %get3A_113 = arith.index_cast %add3A_99 : i32 to index
      %get3A_114 = arith.constant 16 : index
      %get3A_115 = tpu.vector_load %arg6[%get3A_113, %get3A_114] {strides = array<i32>} : memref<512x64xf32, #tpu.memory_space<vmem>>, vector<16xf32>,
      %mul3A_116 = arith.mulf %get3A_112, %get3A_115 : vector<16xf32>
      %add3A_117 = arith.addf %add3A_109, %mul3A_116 : vector<16xf32>
      %get3A_118 = arith.index_cast %add3A_99 : i32 to index
      %get3A_119 = arith.constant 32 : index
      %get3A_120 = tpu.vector_load %arg5[%get3A_118, %get3A_119] {strides = array<i32>} : memref<512x64xf32, #tpu.memory_space<vmem>>, vector<16xf32>,
      %get3A_121 = arith.index_cast %add3A_99 : i32 to index
      %get3A_122 = arith.constant 32 : index
      %get3A_123 = tpu.vector_load %arg6[%get3A_121, %get3A_122] {strides = array<i32>} : memref<512x64xf32, #tpu.memory_space<vmem>>, vector<16xf32>,
      %mul3A_124 = arith.mulf %get3A_120, %get3A_123 : vector<16xf32>
      %add3A_125 = arith.addf %add3A_117, %mul3A_124 : vector<16xf32>
      %get3A_126 = arith.index_cast %add3A_99 : i32 to index
      %get3A_127 = arith.constant 48 : index
      %get3A_128 = tpu.vector_load %arg5[%get3A_126, %get3A_127] {strides = array<i32>} : memref<512x64xf32, #tpu.memory_space<vmem>>, vector<16xf32>,
      %get3A_129 = arith.index_cast %add3A_99 : i32 to index
      %get3A_130 = arith.constant 48 : index
      %get3A_131 = tpu.vector_load %arg6[%get3A_129, %get3A_130] {strides = array<i32>} : memref<512x64xf32, #tpu.memory_space<vmem>>, vector<16xf32>,
      %mul3A_132 = arith.mulf %get3A_128, %get3A_131 : vector<16xf32>
      %add3A_133 = arith.addf %add3A_125, %mul3A_132 : vector<16xf32>
      %eq3A_134 = arith.constant 2 : i32
      %eq3A_135 = vector.broadcast %eq3A_134 : i32 to vector<16xi32>
      %eq3A_136 = arith.cmpi eq, %iota3A, %eq3A_135 : vector<16xi32>
      %reduce_sum3A_137 = arith.constant true
      %reduce_sum3A_138 = vector.broadcast %reduce_sum3A_137 : i1 to vector<16xi1>
      %reduce_sum3A_139 = tpu.scan <sum>, %add3A_133 masked %reduce_sum3A_138 : vector<16xf32>, vector<16xi1> -> vector<16xf32>
      %reduce_sum3A_140 = vector.extract %reduce_sum3A_139[15] : f32 from vector<16xf32>
      %broadcast_in_dim3A_141 = vector.broadcast %reduce_sum3A_140 : f32 to vector<16xf32>
      %select_n3A_142 = arith.select %eq3A_136, %broadcast_in_dim3A_141, %select_n3A_97 : vector<16xi1>, vector<16xf32>
      %add3A_143 = arith.constant 3 : i32
      %add3A_144 = arith.addi %mul3A_10, %add3A_143 : i32
      %broadcast_in_dim3A_145 = arith.constant 0.000000e+00 : f32
      %broadcast_in_dim3A_146 = vector.broadcast %broadcast_in_dim3A_145 : f32 to vector<16xf32>
      %get3A_147 = arith.index_cast %add3A_144 : i32 to index
      %get3A_148 = arith.constant 0 : index
      %get3A_149 = tpu.vector_load %arg5[%get3A_147, %get3A_148] {strides = array<i32>} : memref<512x64xf32, #tpu.memory_space<vmem>>, vector<16xf32>,
      %get3A_150 = arith.index_cast %add3A_144 : i32 to index
      %get3A_151 = arith.constant 0 : index
      %get3A_152 = tpu.vector_load %arg6[%get3A_150, %get3A_151] {strides = array<i32>} : memref<512x64xf32, #tpu.memory_space<vmem>>, vector<16xf32>,
      %mul3A_153 = arith.mulf %get3A_149, %get3A_152 : vector<16xf32>
      %add3A_154 = arith.addf %broadcast_in_dim3A_146, %mul3A_153 : vector<16xf32>
      %get3A_155 = arith.index_cast %add3A_144 : i32 to index
      %get3A_156 = arith.constant 16 : index
      %get3A_157 = tpu.vector_load %arg5[%get3A_155, %get3A_156] {strides = array<i32>} : memref<512x64xf32, #tpu.memory_space<vmem>>, vector<16xf32>,
      %get3A_158 = arith.index_cast %add3A_144 : i32 to index
      %get3A_159 = arith.constant 16 : index
      %get3A_160 = tpu.vector_load %arg6[%get3A_158, %get3A_159] {strides = array<i32>} : memref<512x64xf32, #tpu.memory_space<vmem>>, vector<16xf32>,
      %mul3A_161 = arith.mulf %get3A_157, %get3A_160 : vector<16xf32>
      %add3A_162 = arith.addf %add3A_154, %mul3A_161 : vector<16xf32>
      %get3A_163 = arith.index_cast %add3A_144 : i32 to index
      %get3A_164 = arith.constant 32 : index
      %get3A_165 = tpu.vector_load %arg5[%get3A_163, %get3A_164] {strides = array<i32>} : memref<512x64xf32, #tpu.memory_space<vmem>>, vector<16xf32>,
      %get3A_166 = arith.index_cast %add3A_144 : i32 to index
      %get3A_167 = arith.constant 32 : index
      %get3A_168 = tpu.vector_load %arg6[%get3A_166, %get3A_167] {strides = array<i32>} : memref<512x64xf32, #tpu.memory_space<vmem>>, vector<16xf32>,
      %mul3A_169 = arith.mulf %get3A_165, %get3A_168 : vector<16xf32>
      %add3A_170 = arith.addf %add3A_162, %mul3A_169 : vector<16xf32>
      %get3A_171 = arith.index_cast %add3A_144 : i32 to index
      %get3A_172 = arith.constant 48 : index
      %get3A_173 = tpu.vector_load %arg5[%get3A_171, %get3A_172] {strides = array<i32>} : memref<512x64xf32, #tpu.memory_space<vmem>>, vector<16xf32>,
      %get3A_174 = arith.index_cast %add3A_144 : i32 to index
      %get3A_175 = arith.constant 48 : index
      %get3A_176 = tpu.vector_load %arg6[%get3A_174, %get3A_175] {strides = array<i32>} : memref<512x64xf32, #tpu.memory_space<vmem>>, vector<16xf32>,
      %mul3A_177 = arith.mulf %get3A_173, %get3A_176 : vector<16xf32>
      %add3A_178 = arith.addf %add3A_170, %mul3A_177 : vector<16xf32>
      %eq3A_179 = arith.constant 3 : i32
      %eq3A_180 = vector.broadcast %eq3A_179 : i32 to vector<16xi32>
      %eq3A_181 = arith.cmpi eq, %iota3A, %eq3A_180 : vector<16xi32>
      %reduce_sum3A_182 = arith.constant true
      %reduce_sum3A_183 = vector.broadcast %reduce_sum3A_182 : i1 to vector<16xi1>
      %reduce_sum3A_184 = tpu.scan <sum>, %add3A_178 masked %reduce_sum3A_183 : vector<16xf32>, vector<16xi1> -> vector<16xf32>
      %reduce_sum3A_185 = vector.extract %reduce_sum3A_184[15] : f32 from vector<16xf32>
      %broadcast_in_dim3A_186 = vector.broadcast %reduce_sum3A_185 : f32 to vector<16xf32>
      %select_n3A_187 = arith.select %eq3A_181, %broadcast_in_dim3A_186, %select_n3A_142 : vector<16xi1>, vector<16xf32>
      %add3A_188 = arith.constant 4 : i32
      %add3A_189 = arith.addi %mul3A_10, %add3A_188 : i32
      %broadcast_in_dim3A_190 = arith.constant 0.000000e+00 : f32
      %broadcast_in_dim3A_191 = vector.broadcast %broadcast_in_dim3A_190 : f32 to vector<16xf32>
      %get3A_192 = arith.index_cast %add3A_189 : i32 to index
      %get3A_193 = arith.constant 0 : index
      %get3A_194 = tpu.vector_load %arg5[%get3A_192, %get3A_193] {strides = array<i32>} : memref<512x64xf32, #tpu.memory_space<vmem>>, vector<16xf32>,
      %get3A_195 = arith.index_cast %add3A_189 : i32 to index
      %get3A_196 = arith.constant 0 : index
      %get3A_197 = tpu.vector_load %arg6[%get3A_195, %get3A_196] {strides = array<i32>} : memref<512x64xf32, #tpu.memory_space<vmem>>, vector<16xf32>,
      %mul3A_198 = arith.mulf %get3A_194, %get3A_197 : vector<16xf32>
      %add3A_199 = arith.addf %broadcast_in_dim3A_191, %mul3A_198 : vector<16xf32>
      %get3A_200 = arith.index_cast %add3A_189 : i32 to index
      %get3A_201 = arith.constant 16 : index
      %get3A_202 = tpu.vector_load %arg5[%get3A_200, %get3A_201] {strides = array<i32>} : memref<512x64xf32, #tpu.memory_space<vmem>>, vector<16xf32>,
      %get3A_203 = arith.index_cast %add3A_189 : i32 to index
      %get3A_204 = arith.constant 16 : index
      %get3A_205 = tpu.vector_load %arg6[%get3A_203, %get3A_204] {strides = array<i32>} : memref<512x64xf32, #tpu.memory_space<vmem>>, vector<16xf32>,
      %mul3A_206 = arith.mulf %get3A_202, %get3A_205 : vector<16xf32>
      %add3A_207 = arith.addf %add3A_199, %mul3A_206 : vector<16xf32>
      %get3A_208 = arith.index_cast %add3A_189 : i32 to index
      %get3A_209 = arith.constant 32 : index
      %get3A_210 = tpu.vector_load %arg5[%get3A_208, %get3A_209] {strides = array<i32>} : memref<512x64xf32, #tpu.memory_space<vmem>>, vector<16xf32>,
      %get3A_211 = arith.index_cast %add3A_189 : i32 to index
      %get3A_212 = arith.constant 32 : index
      %get3A_213 = tpu.vector_load %arg6[%get3A_211, %get3A_212] {strides = array<i32>} : memref<512x64xf32, #tpu.memory_space<vmem>>, vector<16xf32>,
      %mul3A_214 = arith.mulf %get3A_210, %get3A_213 : vector<16xf32>
      %add3A_215 = arith.addf %add3A_207, %mul3A_214 : vector<16xf32>
      %get3A_216 = arith.index_cast %add3A_189 : i32 to index
      %get3A_217 = arith.constant 48 : index
      %get3A_218 = tpu.vector_load %arg5[%get3A_216, %get3A_217] {strides = array<i32>} : memref<512x64xf32, #tpu.memory_space<vmem>>, vector<16xf32>,
      %get3A_219 = arith.index_cast %add3A_189 : i32 to index
      %get3A_220 = arith.constant 48 : index
      %get3A_221 = tpu.vector_load %arg6[%get3A_219, %get3A_220] {strides = array<i32>} : memref<512x64xf32, #tpu.memory_space<vmem>>, vector<16xf32>,
      %mul3A_222 = arith.mulf %get3A_218, %get3A_221 : vector<16xf32>
      %add3A_223 = arith.addf %add3A_215, %mul3A_222 : vector<16xf32>
      %eq3A_224 = arith.constant 4 : i32
      %eq3A_225 = vector.broadcast %eq3A_224 : i32 to vector<16xi32>
      %eq3A_226 = arith.cmpi eq, %iota3A, %eq3A_225 : vector<16xi32>
      %reduce_sum3A_227 = arith.constant true
      %reduce_sum3A_228 = vector.broadcast %reduce_sum3A_227 : i1 to vector<16xi1>
      %reduce_sum3A_229 = tpu.scan <sum>, %add3A_223 masked %reduce_sum3A_228 : vector<16xf32>, vector<16xi1> -> vector<16xf32>
      %reduce_sum3A_230 = vector.extract %reduce_sum3A_229[15] : f32 from vector<16xf32>
      %broadcast_in_dim3A_231 = vector.broadcast %reduce_sum3A_230 : f32 to vector<16xf32>
      %select_n3A_232 = arith.select %eq3A_226, %broadcast_in_dim3A_231, %select_n3A_187 : vector<16xi1>, vector<16xf32>
      %add3A_233 = arith.constant 5 : i32
      %add3A_234 = arith.addi %mul3A_10, %add3A_233 : i32
      %broadcast_in_dim3A_235 = arith.constant 0.000000e+00 : f32
      %broadcast_in_dim3A_236 = vector.broadcast %broadcast_in_dim3A_235 : f32 to vector<16xf32>
      %get3A_237 = arith.index_cast %add3A_234 : i32 to index
      %get3A_238 = arith.constant 0 : index
      %get3A_239 = tpu.vector_load %arg5[%get3A_237, %get3A_238] {strides = array<i32>} : memref<512x64xf32, #tpu.memory_space<vmem>>, vector<16xf32>,
      %get3A_240 = arith.index_cast %add3A_234 : i32 to index
      %get3A_241 = arith.constant 0 : index
      %get3A_242 = tpu.vector_load %arg6[%get3A_240, %get3A_241] {strides = array<i32>} : memref<512x64xf32, #tpu.memory_space<vmem>>, vector<16xf32>,
      %mul3A_243 = arith.mulf %get3A_239, %get3A_242 : vector<16xf32>
      %add3A_244 = arith.addf %broadcast_in_dim3A_236, %mul3A_243 : vector<16xf32>
      %get3A_245 = arith.index_cast %add3A_234 : i32 to index
      %get3A_246 = arith.constant 16 : index
      %get3A_247 = tpu.vector_load %arg5[%get3A_245, %get3A_246] {strides = array<i32>} : memref<512x64xf32, #tpu.memory_space<vmem>>, vector<16xf32>,
      %get3A_248 = arith.index_cast %add3A_234 : i32 to index
      %get3A_249 = arith.constant 16 : index
      %get3A_250 = tpu.vector_load %arg6[%get3A_248, %get3A_249] {strides = array<i32>} : memref<512x64xf32, #tpu.memory_space<vmem>>, vector<16xf32>,
      %mul3A_251 = arith.mulf %get3A_247, %get3A_250 : vector<16xf32>
      %add3A_252 = arith.addf %add3A_244, %mul3A_251 : vector<16xf32>
      %get3A_253 = arith.index_cast %add3A_234 : i32 to index
      %get3A_254 = arith.constant 32 : index
      %get3A_255 = tpu.vector_load %arg5[%get3A_253, %get3A_254] {strides = array<i32>} : memref<512x64xf32, #tpu.memory_space<vmem>>, vector<16xf32>,
      %get3A_256 = arith.index_cast %add3A_234 : i32 to index
      %get3A_257 = arith.constant 32 : index
      %get3A_258 = tpu.vector_load %arg6[%get3A_256, %get3A_257] {strides = array<i32>} : memref<512x64xf32, #tpu.memory_space<vmem>>, vector<16xf32>,
      %mul3A_259 = arith.mulf %get3A_255, %get3A_258 : vector<16xf32>
      %add3A_260 = arith.addf %add3A_252, %mul3A_259 : vector<16xf32>
      %get3A_261 = arith.index_cast %add3A_234 : i32 to index
      %get3A_262 = arith.constant 48 : index
      %get3A_263 = tpu.vector_load %arg5[%get3A_261, %get3A_262] {strides = array<i32>} : memref<512x64xf32, #tpu.memory_space<vmem>>, vector<16xf32>,
      %get3A_264 = arith.index_cast %add3A_234 : i32 to index
      %get3A_265 = arith.constant 48 : index
      %get3A_266 = tpu.vector_load %arg6[%get3A_264, %get3A_265] {strides = array<i32>} : memref<512x64xf32, #tpu.memory_space<vmem>>, vector<16xf32>,
      %mul3A_267 = arith.mulf %get3A_263, %get3A_266 : vector<16xf32>
      %add3A_268 = arith.addf %add3A_260, %mul3A_267 : vector<16xf32>
      %eq3A_269 = arith.constant 5 : i32
      %eq3A_270 = vector.broadcast %eq3A_269 : i32 to vector<16xi32>
      %eq3A_271 = arith.cmpi eq, %iota3A, %eq3A_270 : vector<16xi32>
      %reduce_sum3A_272 = arith.constant true
      %reduce_sum3A_273 = vector.broadcast %reduce_sum3A_272 : i1 to vector<16xi1>
      %reduce_sum3A_274 = tpu.scan <sum>, %add3A_268 masked %reduce_sum3A_273 : vector<16xf32>, vector<16xi1> -> vector<16xf32>
      %reduce_sum3A_275 = vector.extract %reduce_sum3A_274[15] : f32 from vector<16xf32>
      %broadcast_in_dim3A_276 = vector.broadcast %reduce_sum3A_275 : f32 to vector<16xf32>
      %select_n3A_277 = arith.select %eq3A_271, %broadcast_in_dim3A_276, %select_n3A_232 : vector<16xi1>, vector<16xf32>
      %add3A_278 = arith.constant 6 : i32
      %add3A_279 = arith.addi %mul3A_10, %add3A_278 : i32
      %broadcast_in_dim3A_280 = arith.constant 0.000000e+00 : f32
      %broadcast_in_dim3A_281 = vector.broadcast %broadcast_in_dim3A_280 : f32 to vector<16xf32>
      %get3A_282 = arith.index_cast %add3A_279 : i32 to index
      %get3A_283 = arith.constant 0 : index
      %get3A_284 = tpu.vector_load %arg5[%get3A_282, %get3A_283] {strides = array<i32>} : memref<512x64xf32, #tpu.memory_space<vmem>>, vector<16xf32>,
      %get3A_285 = arith.index_cast %add3A_279 : i32 to index
      %get3A_286 = arith.constant 0 : index
      %get3A_287 = tpu.vector_load %arg6[%get3A_285, %get3A_286] {strides = array<i32>} : memref<512x64xf32, #tpu.memory_space<vmem>>, vector<16xf32>,
      %mul3A_288 = arith.mulf %get3A_284, %get3A_287 : vector<16xf32>
      %add3A_289 = arith.addf %broadcast_in_dim3A_281, %mul3A_288 : vector<16xf32>
      %get3A_290 = arith.index_cast %add3A_279 : i32 to index
      %get3A_291 = arith.constant 16 : index
      %get3A_292 = tpu.vector_load %arg5[%get3A_290, %get3A_291] {strides = array<i32>} : memref<512x64xf32, #tpu.memory_space<vmem>>, vector<16xf32>,
      %get3A_293 = arith.index_cast %add3A_279 : i32 to index
      %get3A_294 = arith.constant 16 : index
      %get3A_295 = tpu.vector_load %arg6[%get3A_293, %get3A_294] {strides = array<i32>} : memref<512x64xf32, #tpu.memory_space<vmem>>, vector<16xf32>,
      %mul3A_296 = arith.mulf %get3A_292, %get3A_295 : vector<16xf32>
      %add3A_297 = arith.addf %add3A_289, %mul3A_296 : vector<16xf32>
      %get3A_298 = arith.index_cast %add3A_279 : i32 to index
      %get3A_299 = arith.constant 32 : index
      %get3A_300 = tpu.vector_load %arg5[%get3A_298, %get3A_299] {strides = array<i32>} : memref<512x64xf32, #tpu.memory_space<vmem>>, vector<16xf32>,
      %get3A_301 = arith.index_cast %add3A_279 : i32 to index
      %get3A_302 = arith.constant 32 : index
      %get3A_303 = tpu.vector_load %arg6[%get3A_301, %get3A_302] {strides = array<i32>} : memref<512x64xf32, #tpu.memory_space<vmem>>, vector<16xf32>,
      %mul3A_304 = arith.mulf %get3A_300, %get3A_303 : vector<16xf32>
      %add3A_305 = arith.addf %add3A_297, %mul3A_304 : vector<16xf32>
      %get3A_306 = arith.index_cast %add3A_279 : i32 to index
      %get3A_307 = arith.constant 48 : index
      %get3A_308 = tpu.vector_load %arg5[%get3A_306, %get3A_307] {strides = array<i32>} : memref<512x64xf32, #tpu.memory_space<vmem>>, vector<16xf32>,
      %get3A_309 = arith.index_cast %add3A_279 : i32 to index
      %get3A_310 = arith.constant 48 : index
      %get3A_311 = tpu.vector_load %arg6[%get3A_309, %get3A_310] {strides = array<i32>} : memref<512x64xf32, #tpu.memory_space<vmem>>, vector<16xf32>,
      %mul3A_312 = arith.mulf %get3A_308, %get3A_311 : vector<16xf32>
      %add3A_313 = arith.addf %add3A_305, %mul3A_312 : vector<16xf32>
      %eq3A_314 = arith.constant 6 : i32
      %eq3A_315 = vector.broadcast %eq3A_314 : i32 to vector<16xi32>
      %eq3A_316 = arith.cmpi eq, %iota3A, %eq3A_315 : vector<16xi32>
      %reduce_sum3A_317 = arith.constant true
      %reduce_sum3A_318 = vector.broadcast %reduce_sum3A_317 : i1 to vector<16xi1>
      %reduce_sum3A_319 = tpu.scan <sum>, %add3A_313 masked %reduce_sum3A_318 : vector<16xf32>, vector<16xi1> -> vector<16xf32>
      %reduce_sum3A_320 = vector.extract %reduce_sum3A_319[15] : f32 from vector<16xf32>
      %broadcast_in_dim3A_321 = vector.broadcast %reduce_sum3A_320 : f32 to vector<16xf32>
      %select_n3A_322 = arith.select %eq3A_316, %broadcast_in_dim3A_321, %select_n3A_277 : vector<16xi1>, vector<16xf32>
      %add3A_323 = arith.constant 7 : i32
      %add3A_324 = arith.addi %mul3A_10, %add3A_323 : i32
      %broadcast_in_dim3A_325 = arith.constant 0.000000e+00 : f32
      %broadcast_in_dim3A_326 = vector.broadcast %broadcast_in_dim3A_325 : f32 to vector<16xf32>
      %get3A_327 = arith.index_cast %add3A_324 : i32 to index
      %get3A_328 = arith.constant 0 : index
      %get3A_329 = tpu.vector_load %arg5[%get3A_327, %get3A_328] {strides = array<i32>} : memref<512x64xf32, #tpu.memory_space<vmem>>, vector<16xf32>,
      %get3A_330 = arith.index_cast %add3A_324 : i32 to index
      %get3A_331 = arith.constant 0 : index
      %get3A_332 = tpu.vector_load %arg6[%get3A_330, %get3A_331] {strides = array<i32>} : memref<512x64xf32, #tpu.memory_space<vmem>>, vector<16xf32>,
      %mul3A_333 = arith.mulf %get3A_329, %get3A_332 : vector<16xf32>
      %add3A_334 = arith.addf %broadcast_in_dim3A_326, %mul3A_333 : vector<16xf32>
      %get3A_335 = arith.index_cast %add3A_324 : i32 to index
      %get3A_336 = arith.constant 16 : index
      %get3A_337 = tpu.vector_load %arg5[%get3A_335, %get3A_336] {strides = array<i32>} : memref<512x64xf32, #tpu.memory_space<vmem>>, vector<16xf32>,
      %get3A_338 = arith.index_cast %add3A_324 : i32 to index
      %get3A_339 = arith.constant 16 : index
      %get3A_340 = tpu.vector_load %arg6[%get3A_338, %get3A_339] {strides = array<i32>} : memref<512x64xf32, #tpu.memory_space<vmem>>, vector<16xf32>,
      %mul3A_341 = arith.mulf %get3A_337, %get3A_340 : vector<16xf32>
      %add3A_342 = arith.addf %add3A_334, %mul3A_341 : vector<16xf32>
      %get3A_343 = arith.index_cast %add3A_324 : i32 to index
      %get3A_344 = arith.constant 32 : index
      %get3A_345 = tpu.vector_load %arg5[%get3A_343, %get3A_344] {strides = array<i32>} : memref<512x64xf32, #tpu.memory_space<vmem>>, vector<16xf32>,
      %get3A_346 = arith.index_cast %add3A_324 : i32 to index
      %get3A_347 = arith.constant 32 : index
      %get3A_348 = tpu.vector_load %arg6[%get3A_346, %get3A_347] {strides = array<i32>} : memref<512x64xf32, #tpu.memory_space<vmem>>, vector<16xf32>,
      %mul3A_349 = arith.mulf %get3A_345, %get3A_348 : vector<16xf32>
      %add3A_350 = arith.addf %add3A_342, %mul3A_349 : vector<16xf32>
      %get3A_351 = arith.index_cast %add3A_324 : i32 to index
      %get3A_352 = arith.constant 48 : index
      %get3A_353 = tpu.vector_load %arg5[%get3A_351, %get3A_352] {strides = array<i32>} : memref<512x64xf32, #tpu.memory_space<vmem>>, vector<16xf32>,
      %get3A_354 = arith.index_cast %add3A_324 : i32 to index
      %get3A_355 = arith.constant 48 : index
      %get3A_356 = tpu.vector_load %arg6[%get3A_354, %get3A_355] {strides = array<i32>} : memref<512x64xf32, #tpu.memory_space<vmem>>, vector<16xf32>,
      %mul3A_357 = arith.mulf %get3A_353, %get3A_356 : vector<16xf32>
      %add3A_358 = arith.addf %add3A_350, %mul3A_357 : vector<16xf32>
      %eq3A_359 = arith.constant 7 : i32
      %eq3A_360 = vector.broadcast %eq3A_359 : i32 to vector<16xi32>
      %eq3A_361 = arith.cmpi eq, %iota3A, %eq3A_360 : vector<16xi32>
      %reduce_sum3A_362 = arith.constant true
      %reduce_sum3A_363 = vector.broadcast %reduce_sum3A_362 : i1 to vector<16xi1>
      %reduce_sum3A_364 = tpu.scan <sum>, %add3A_358 masked %reduce_sum3A_363 : vector<16xf32>, vector<16xi1> -> vector<16xf32>
      %reduce_sum3A_365 = vector.extract %reduce_sum3A_364[15] : f32 from vector<16xf32>
      %broadcast_in_dim3A_366 = vector.broadcast %reduce_sum3A_365 : f32 to vector<16xf32>
      %select_n3A_367 = arith.select %eq3A_361, %broadcast_in_dim3A_366, %select_n3A_322 : vector<16xi1>, vector<16xf32>
      %add3A_368 = arith.constant 8 : i32
      %add3A_369 = arith.addi %mul3A_10, %add3A_368 : i32
      %broadcast_in_dim3A_370 = arith.constant 0.000000e+00 : f32
      %broadcast_in_dim3A_371 = vector.broadcast %broadcast_in_dim3A_370 : f32 to vector<16xf32>
      %get3A_372 = arith.index_cast %add3A_369 : i32 to index
      %get3A_373 = arith.constant 0 : index
      %get3A_374 = tpu.vector_load %arg5[%get3A_372, %get3A_373] {strides = array<i32>} : memref<512x64xf32, #tpu.memory_space<vmem>>, vector<16xf32>,
      %get3A_375 = arith.index_cast %add3A_369 : i32 to index
      %get3A_376 = arith.constant 0 : index
      %get3A_377 = tpu.vector_load %arg6[%get3A_375, %get3A_376] {strides = array<i32>} : memref<512x64xf32, #tpu.memory_space<vmem>>, vector<16xf32>,
      %mul3A_378 = arith.mulf %get3A_374, %get3A_377 : vector<16xf32>
      %add3A_379 = arith.addf %broadcast_in_dim3A_371, %mul3A_378 : vector<16xf32>
      %get3A_380 = arith.index_cast %add3A_369 : i32 to index
      %get3A_381 = arith.constant 16 : index
      %get3A_382 = tpu.vector_load %arg5[%get3A_380, %get3A_381] {strides = array<i32>} : memref<512x64xf32, #tpu.memory_space<vmem>>, vector<16xf32>,
      %get3A_383 = arith.index_cast %add3A_369 : i32 to index
      %get3A_384 = arith.constant 16 : index
      %get3A_385 = tpu.vector_load %arg6[%get3A_383, %get3A_384] {strides = array<i32>} : memref<512x64xf32, #tpu.memory_space<vmem>>, vector<16xf32>,
      %mul3A_386 = arith.mulf %get3A_382, %get3A_385 : vector<16xf32>
      %add3A_387 = arith.addf %add3A_379, %mul3A_386 : vector<16xf32>
      %get3A_388 = arith.index_cast %add3A_369 : i32 to index
      %get3A_389 = arith.constant 32 : index
      %get3A_390 = tpu.vector_load %arg5[%get3A_388, %get3A_389] {strides = array<i32>} : memref<512x64xf32, #tpu.memory_space<vmem>>, vector<16xf32>,
      %get3A_391 = arith.index_cast %add3A_369 : i32 to index
      %get3A_392 = arith.constant 32 : index
      %get3A_393 = tpu.vector_load %arg6[%get3A_391, %get3A_392] {strides = array<i32>} : memref<512x64xf32, #tpu.memory_space<vmem>>, vector<16xf32>,
      %mul3A_394 = arith.mulf %get3A_390, %get3A_393 : vector<16xf32>
      %add3A_395 = arith.addf %add3A_387, %mul3A_394 : vector<16xf32>
      %get3A_396 = arith.index_cast %add3A_369 : i32 to index
      %get3A_397 = arith.constant 48 : index
      %get3A_398 = tpu.vector_load %arg5[%get3A_396, %get3A_397] {strides = array<i32>} : memref<512x64xf32, #tpu.memory_space<vmem>>, vector<16xf32>,
      %get3A_399 = arith.index_cast %add3A_369 : i32 to index
      %get3A_400 = arith.constant 48 : index
      %get3A_401 = tpu.vector_load %arg6[%get3A_399, %get3A_400] {strides = array<i32>} : memref<512x64xf32, #tpu.memory_space<vmem>>, vector<16xf32>,
      %mul3A_402 = arith.mulf %get3A_398, %get3A_401 : vector<16xf32>
      %add3A_403 = arith.addf %add3A_395, %mul3A_402 : vector<16xf32>
      %eq3A_404 = arith.constant 8 : i32
      %eq3A_405 = vector.broadcast %eq3A_404 : i32 to vector<16xi32>
      %eq3A_406 = arith.cmpi eq, %iota3A, %eq3A_405 : vector<16xi32>
      %reduce_sum3A_407 = arith.constant true
      %reduce_sum3A_408 = vector.broadcast %reduce_sum3A_407 : i1 to vector<16xi1>
      %reduce_sum3A_409 = tpu.scan <sum>, %add3A_403 masked %reduce_sum3A_408 : vector<16xf32>, vector<16xi1> -> vector<16xf32>
      %reduce_sum3A_410 = vector.extract %reduce_sum3A_409[15] : f32 from vector<16xf32>
      %broadcast_in_dim3A_411 = vector.broadcast %reduce_sum3A_410 : f32 to vector<16xf32>
      %select_n3A_412 = arith.select %eq3A_406, %broadcast_in_dim3A_411, %select_n3A_367 : vector<16xi1>, vector<16xf32>
      %add3A_413 = arith.constant 9 : i32
      %add3A_414 = arith.addi %mul3A_10, %add3A_413 : i32
      %broadcast_in_dim3A_415 = arith.constant 0.000000e+00 : f32
      %broadcast_in_dim3A_416 = vector.broadcast %broadcast_in_dim3A_415 : f32 to vector<16xf32>
      %get3A_417 = arith.index_cast %add3A_414 : i32 to index
      %get3A_418 = arith.constant 0 : index
      %get3A_419 = tpu.vector_load %arg5[%get3A_417, %get3A_418] {strides = array<i32>} : memref<512x64xf32, #tpu.memory_space<vmem>>, vector<16xf32>,
      %get3A_420 = arith.index_cast %add3A_414 : i32 to index
      %get3A_421 = arith.constant 0 : index
      %get3A_422 = tpu.vector_load %arg6[%get3A_420, %get3A_421] {strides = array<i32>} : memref<512x64xf32, #tpu.memory_space<vmem>>, vector<16xf32>,
      %mul3A_423 = arith.mulf %get3A_419, %get3A_422 : vector<16xf32>
      %add3A_424 = arith.addf %broadcast_in_dim3A_416, %mul3A_423 : vector<16xf32>
      %get3A_425 = arith.index_cast %add3A_414 : i32 to index
      %get3A_426 = arith.constant 16 : index
      %get3A_427 = tpu.vector_load %arg5[%get3A_425, %get3A_426] {strides = array<i32>} : memref<512x64xf32, #tpu.memory_space<vmem>>, vector<16xf32>,
      %get3A_428 = arith.index_cast %add3A_414 : i32 to index
      %get3A_429 = arith.constant 16 : index
      %get3A_430 = tpu.vector_load %arg6[%get3A_428, %get3A_429] {strides = array<i32>} : memref<512x64xf32, #tpu.memory_space<vmem>>, vector<16xf32>,
      %mul3A_431 = arith.mulf %get3A_427, %get3A_430 : vector<16xf32>
      %add3A_432 = arith.addf %add3A_424, %mul3A_431 : vector<16xf32>
      %get3A_433 = arith.index_cast %add3A_414 : i32 to index
      %get3A_434 = arith.constant 32 : index
      %get3A_435 = tpu.vector_load %arg5[%get3A_433, %get3A_434] {strides = array<i32>} : memref<512x64xf32, #tpu.memory_space<vmem>>, vector<16xf32>,
      %get3A_436 = arith.index_cast %add3A_414 : i32 to index
      %get3A_437 = arith.constant 32 : index
      %get3A_438 = tpu.vector_load %arg6[%get3A_436, %get3A_437] {strides = array<i32>} : memref<512x64xf32, #tpu.memory_space<vmem>>, vector<16xf32>,
      %mul3A_439 = arith.mulf %get3A_435, %get3A_438 : vector<16xf32>
      %add3A_440 = arith.addf %add3A_432, %mul3A_439 : vector<16xf32>
      %get3A_441 = arith.index_cast %add3A_414 : i32 to index
      %get3A_442 = arith.constant 48 : index
      %get3A_443 = tpu.vector_load %arg5[%get3A_441, %get3A_442] {strides = array<i32>} : memref<512x64xf32, #tpu.memory_space<vmem>>, vector<16xf32>,
      %get3A_444 = arith.index_cast %add3A_414 : i32 to index
      %get3A_445 = arith.constant 48 : index
      %get3A_446 = tpu.vector_load %arg6[%get3A_444, %get3A_445] {strides = array<i32>} : memref<512x64xf32, #tpu.memory_space<vmem>>, vector<16xf32>,
      %mul3A_447 = arith.mulf %get3A_443, %get3A_446 : vector<16xf32>
      %add3A_448 = arith.addf %add3A_440, %mul3A_447 : vector<16xf32>
      %eq3A_449 = arith.constant 9 : i32
      %eq3A_450 = vector.broadcast %eq3A_449 : i32 to vector<16xi32>
      %eq3A_451 = arith.cmpi eq, %iota3A, %eq3A_450 : vector<16xi32>
      %reduce_sum3A_452 = arith.constant true
      %reduce_sum3A_453 = vector.broadcast %reduce_sum3A_452 : i1 to vector<16xi1>
      %reduce_sum3A_454 = tpu.scan <sum>, %add3A_448 masked %reduce_sum3A_453 : vector<16xf32>, vector<16xi1> -> vector<16xf32>
      %reduce_sum3A_455 = vector.extract %reduce_sum3A_454[15] : f32 from vector<16xf32>
      %broadcast_in_dim3A_456 = vector.broadcast %reduce_sum3A_455 : f32 to vector<16xf32>
      %select_n3A_457 = arith.select %eq3A_451, %broadcast_in_dim3A_456, %select_n3A_412 : vector<16xi1>, vector<16xf32>
      %add3A_458 = arith.constant 10 : i32
      %add3A_459 = arith.addi %mul3A_10, %add3A_458 : i32
      %broadcast_in_dim3A_460 = arith.constant 0.000000e+00 : f32
      %broadcast_in_dim3A_461 = vector.broadcast %broadcast_in_dim3A_460 : f32 to vector<16xf32>
      %get3A_462 = arith.index_cast %add3A_459 : i32 to index
      %get3A_463 = arith.constant 0 : index
      %get3A_464 = tpu.vector_load %arg5[%get3A_462, %get3A_463] {strides = array<i32>} : memref<512x64xf32, #tpu.memory_space<vmem>>, vector<16xf32>,
      %get3A_465 = arith.index_cast %add3A_459 : i32 to index
      %get3A_466 = arith.constant 0 : index
      %get3A_467 = tpu.vector_load %arg6[%get3A_465, %get3A_466] {strides = array<i32>} : memref<512x64xf32, #tpu.memory_space<vmem>>, vector<16xf32>,
      %mul3A_468 = arith.mulf %get3A_464, %get3A_467 : vector<16xf32>
      %add3A_469 = arith.addf %broadcast_in_dim3A_461, %mul3A_468 : vector<16xf32>
      %get3A_470 = arith.index_cast %add3A_459 : i32 to index
      %get3A_471 = arith.constant 16 : index
      %get3A_472 = tpu.vector_load %arg5[%get3A_470, %get3A_471] {strides = array<i32>} : memref<512x64xf32, #tpu.memory_space<vmem>>, vector<16xf32>,
      %get3A_473 = arith.index_cast %add3A_459 : i32 to index
      %get3A_474 = arith.constant 16 : index
      %get3A_475 = tpu.vector_load %arg6[%get3A_473, %get3A_474] {strides = array<i32>} : memref<512x64xf32, #tpu.memory_space<vmem>>, vector<16xf32>,
      %mul3A_476 = arith.mulf %get3A_472, %get3A_475 : vector<16xf32>
      %add3A_477 = arith.addf %add3A_469, %mul3A_476 : vector<16xf32>
      %get3A_478 = arith.index_cast %add3A_459 : i32 to index
      %get3A_479 = arith.constant 32 : index
      %get3A_480 = tpu.vector_load %arg5[%get3A_478, %get3A_479] {strides = array<i32>} : memref<512x64xf32, #tpu.memory_space<vmem>>, vector<16xf32>,
      %get3A_481 = arith.index_cast %add3A_459 : i32 to index
      %get3A_482 = arith.constant 32 : index
      %get3A_483 = tpu.vector_load %arg6[%get3A_481, %get3A_482] {strides = array<i32>} : memref<512x64xf32, #tpu.memory_space<vmem>>, vector<16xf32>,
      %mul3A_484 = arith.mulf %get3A_480, %get3A_483 : vector<16xf32>
      %add3A_485 = arith.addf %add3A_477, %mul3A_484 : vector<16xf32>
      %get3A_486 = arith.index_cast %add3A_459 : i32 to index
      %get3A_487 = arith.constant 48 : index
      %get3A_488 = tpu.vector_load %arg5[%get3A_486, %get3A_487] {strides = array<i32>} : memref<512x64xf32, #tpu.memory_space<vmem>>, vector<16xf32>,
      %get3A_489 = arith.index_cast %add3A_459 : i32 to index
      %get3A_490 = arith.constant 48 : index
      %get3A_491 = tpu.vector_load %arg6[%get3A_489, %get3A_490] {strides = array<i32>} : memref<512x64xf32, #tpu.memory_space<vmem>>, vector<16xf32>,
      %mul3A_492 = arith.mulf %get3A_488, %get3A_491 : vector<16xf32>
      %add3A_493 = arith.addf %add3A_485, %mul3A_492 : vector<16xf32>
      %eq3A_494 = arith.constant 10 : i32
      %eq3A_495 = vector.broadcast %eq3A_494 : i32 to vector<16xi32>
      %eq3A_496 = arith.cmpi eq, %iota3A, %eq3A_495 : vector<16xi32>
      %reduce_sum3A_497 = arith.constant true
      %reduce_sum3A_498 = vector.broadcast %reduce_sum3A_497 : i1 to vector<16xi1>
      %reduce_sum3A_499 = tpu.scan <sum>, %add3A_493 masked %reduce_sum3A_498 : vector<16xf32>, vector<16xi1> -> vector<16xf32>
      %reduce_sum3A_500 = vector.extract %reduce_sum3A_499[15] : f32 from vector<16xf32>
      %broadcast_in_dim3A_501 = vector.broadcast %reduce_sum3A_500 : f32 to vector<16xf32>
      %select_n3A_502 = arith.select %eq3A_496, %broadcast_in_dim3A_501, %select_n3A_457 : vector<16xi1>, vector<16xf32>
      %add3A_503 = arith.constant 11 : i32
      %add3A_504 = arith.addi %mul3A_10, %add3A_503 : i32
      %broadcast_in_dim3A_505 = arith.constant 0.000000e+00 : f32
      %broadcast_in_dim3A_506 = vector.broadcast %broadcast_in_dim3A_505 : f32 to vector<16xf32>
      %get3A_507 = arith.index_cast %add3A_504 : i32 to index
      %get3A_508 = arith.constant 0 : index
      %get3A_509 = tpu.vector_load %arg5[%get3A_507, %get3A_508] {strides = array<i32>} : memref<512x64xf32, #tpu.memory_space<vmem>>, vector<16xf32>,
      %get3A_510 = arith.index_cast %add3A_504 : i32 to index
      %get3A_511 = arith.constant 0 : index
      %get3A_512 = tpu.vector_load %arg6[%get3A_510, %get3A_511] {strides = array<i32>} : memref<512x64xf32, #tpu.memory_space<vmem>>, vector<16xf32>,
      %mul3A_513 = arith.mulf %get3A_509, %get3A_512 : vector<16xf32>
      %add3A_514 = arith.addf %broadcast_in_dim3A_506, %mul3A_513 : vector<16xf32>
      %get3A_515 = arith.index_cast %add3A_504 : i32 to index
      %get3A_516 = arith.constant 16 : index
      %get3A_517 = tpu.vector_load %arg5[%get3A_515, %get3A_516] {strides = array<i32>} : memref<512x64xf32, #tpu.memory_space<vmem>>, vector<16xf32>,
      %get3A_518 = arith.index_cast %add3A_504 : i32 to index
      %get3A_519 = arith.constant 16 : index
      %get3A_520 = tpu.vector_load %arg6[%get3A_518, %get3A_519] {strides = array<i32>} : memref<512x64xf32, #tpu.memory_space<vmem>>, vector<16xf32>,
      %mul3A_521 = arith.mulf %get3A_517, %get3A_520 : vector<16xf32>
      %add3A_522 = arith.addf %add3A_514, %mul3A_521 : vector<16xf32>
      %get3A_523 = arith.index_cast %add3A_504 : i32 to index
      %get3A_524 = arith.constant 32 : index
      %get3A_525 = tpu.vector_load %arg5[%get3A_523, %get3A_524] {strides = array<i32>} : memref<512x64xf32, #tpu.memory_space<vmem>>, vector<16xf32>,
      %get3A_526 = arith.index_cast %add3A_504 : i32 to index
      %get3A_527 = arith.constant 32 : index
      %get3A_528 = tpu.vector_load %arg6[%get3A_526, %get3A_527] {strides = array<i32>} : memref<512x64xf32, #tpu.memory_space<vmem>>, vector<16xf32>,
      %mul3A_529 = arith.mulf %get3A_525, %get3A_528 : vector<16xf32>
      %add3A_530 = arith.addf %add3A_522, %mul3A_529 : vector<16xf32>
      %get3A_531 = arith.index_cast %add3A_504 : i32 to index
      %get3A_532 = arith.constant 48 : index
      %get3A_533 = tpu.vector_load %arg5[%get3A_531, %get3A_532] {strides = array<i32>} : memref<512x64xf32, #tpu.memory_space<vmem>>, vector<16xf32>,
      %get3A_534 = arith.index_cast %add3A_504 : i32 to index
      %get3A_535 = arith.constant 48 : index
      %get3A_536 = tpu.vector_load %arg6[%get3A_534, %get3A_535] {strides = array<i32>} : memref<512x64xf32, #tpu.memory_space<vmem>>, vector<16xf32>,
      %mul3A_537 = arith.mulf %get3A_533, %get3A_536 : vector<16xf32>
      %add3A_538 = arith.addf %add3A_530, %mul3A_537 : vector<16xf32>
      %eq3A_539 = arith.constant 11 : i32
      %eq3A_540 = vector.broadcast %eq3A_539 : i32 to vector<16xi32>
      %eq3A_541 = arith.cmpi eq, %iota3A, %eq3A_540 : vector<16xi32>
      %reduce_sum3A_542 = arith.constant true
      %reduce_sum3A_543 = vector.broadcast %reduce_sum3A_542 : i1 to vector<16xi1>
      %reduce_sum3A_544 = tpu.scan <sum>, %add3A_538 masked %reduce_sum3A_543 : vector<16xf32>, vector<16xi1> -> vector<16xf32>
      %reduce_sum3A_545 = vector.extract %reduce_sum3A_544[15] : f32 from vector<16xf32>
      %broadcast_in_dim3A_546 = vector.broadcast %reduce_sum3A_545 : f32 to vector<16xf32>
      %select_n3A_547 = arith.select %eq3A_541, %broadcast_in_dim3A_546, %select_n3A_502 : vector<16xi1>, vector<16xf32>
      %add3A_548 = arith.constant 12 : i32
      %add3A_549 = arith.addi %mul3A_10, %add3A_548 : i32
      %broadcast_in_dim3A_550 = arith.constant 0.000000e+00 : f32
      %broadcast_in_dim3A_551 = vector.broadcast %broadcast_in_dim3A_550 : f32 to vector<16xf32>
      %get3A_552 = arith.index_cast %add3A_549 : i32 to index
      %get3A_553 = arith.constant 0 : index
      %get3A_554 = tpu.vector_load %arg5[%get3A_552, %get3A_553] {strides = array<i32>} : memref<512x64xf32, #tpu.memory_space<vmem>>, vector<16xf32>,
      %get3A_555 = arith.index_cast %add3A_549 : i32 to index
      %get3A_556 = arith.constant 0 : index
      %get3A_557 = tpu.vector_load %arg6[%get3A_555, %get3A_556] {strides = array<i32>} : memref<512x64xf32, #tpu.memory_space<vmem>>, vector<16xf32>,
      %mul3A_558 = arith.mulf %get3A_554, %get3A_557 : vector<16xf32>
      %add3A_559 = arith.addf %broadcast_in_dim3A_551, %mul3A_558 : vector<16xf32>
      %get3A_560 = arith.index_cast %add3A_549 : i32 to index
      %get3A_561 = arith.constant 16 : index
      %get3A_562 = tpu.vector_load %arg5[%get3A_560, %get3A_561] {strides = array<i32>} : memref<512x64xf32, #tpu.memory_space<vmem>>, vector<16xf32>,
      %get3A_563 = arith.index_cast %add3A_549 : i32 to index
      %get3A_564 = arith.constant 16 : index
      %get3A_565 = tpu.vector_load %arg6[%get3A_563, %get3A_564] {strides = array<i32>} : memref<512x64xf32, #tpu.memory_space<vmem>>, vector<16xf32>,
      %mul3A_566 = arith.mulf %get3A_562, %get3A_565 : vector<16xf32>
      %add3A_567 = arith.addf %add3A_559, %mul3A_566 : vector<16xf32>
      %get3A_568 = arith.index_cast %add3A_549 : i32 to index
      %get3A_569 = arith.constant 32 : index
      %get3A_570 = tpu.vector_load %arg5[%get3A_568, %get3A_569] {strides = array<i32>} : memref<512x64xf32, #tpu.memory_space<vmem>>, vector<16xf32>,
      %get3A_571 = arith.index_cast %add3A_549 : i32 to index
      %get3A_572 = arith.constant 32 : index
      %get3A_573 = tpu.vector_load %arg6[%get3A_571, %get3A_572] {strides = array<i32>} : memref<512x64xf32, #tpu.memory_space<vmem>>, vector<16xf32>,
      %mul3A_574 = arith.mulf %get3A_570, %get3A_573 : vector<16xf32>
      %add3A_575 = arith.addf %add3A_567, %mul3A_574 : vector<16xf32>
      %get3A_576 = arith.index_cast %add3A_549 : i32 to index
      %get3A_577 = arith.constant 48 : index
      %get3A_578 = tpu.vector_load %arg5[%get3A_576, %get3A_577] {strides = array<i32>} : memref<512x64xf32, #tpu.memory_space<vmem>>, vector<16xf32>,
      %get3A_579 = arith.index_cast %add3A_549 : i32 to index
      %get3A_580 = arith.constant 48 : index
      %get3A_581 = tpu.vector_load %arg6[%get3A_579, %get3A_580] {strides = array<i32>} : memref<512x64xf32, #tpu.memory_space<vmem>>, vector<16xf32>,
      %mul3A_582 = arith.mulf %get3A_578, %get3A_581 : vector<16xf32>
      %add3A_583 = arith.addf %add3A_575, %mul3A_582 : vector<16xf32>
      %eq3A_584 = arith.constant 12 : i32
      %eq3A_585 = vector.broadcast %eq3A_584 : i32 to vector<16xi32>
      %eq3A_586 = arith.cmpi eq, %iota3A, %eq3A_585 : vector<16xi32>
      %reduce_sum3A_587 = arith.constant true
      %reduce_sum3A_588 = vector.broadcast %reduce_sum3A_587 : i1 to vector<16xi1>
      %reduce_sum3A_589 = tpu.scan <sum>, %add3A_583 masked %reduce_sum3A_588 : vector<16xf32>, vector<16xi1> -> vector<16xf32>
      %reduce_sum3A_590 = vector.extract %reduce_sum3A_589[15] : f32 from vector<16xf32>
      %broadcast_in_dim3A_591 = vector.broadcast %reduce_sum3A_590 : f32 to vector<16xf32>
      %select_n3A_592 = arith.select %eq3A_586, %broadcast_in_dim3A_591, %select_n3A_547 : vector<16xi1>, vector<16xf32>
      %add3A_593 = arith.constant 13 : i32
      %add3A_594 = arith.addi %mul3A_10, %add3A_593 : i32
      %broadcast_in_dim3A_595 = arith.constant 0.000000e+00 : f32
      %broadcast_in_dim3A_596 = vector.broadcast %broadcast_in_dim3A_595 : f32 to vector<16xf32>
      %get3A_597 = arith.index_cast %add3A_594 : i32 to index
      %get3A_598 = arith.constant 0 : index
      %get3A_599 = tpu.vector_load %arg5[%get3A_597, %get3A_598] {strides = array<i32>} : memref<512x64xf32, #tpu.memory_space<vmem>>, vector<16xf32>,
      %get3A_600 = arith.index_cast %add3A_594 : i32 to index
      %get3A_601 = arith.constant 0 : index
      %get3A_602 = tpu.vector_load %arg6[%get3A_600, %get3A_601] {strides = array<i32>} : memref<512x64xf32, #tpu.memory_space<vmem>>, vector<16xf32>,
      %mul3A_603 = arith.mulf %get3A_599, %get3A_602 : vector<16xf32>
      %add3A_604 = arith.addf %broadcast_in_dim3A_596, %mul3A_603 : vector<16xf32>
      %get3A_605 = arith.index_cast %add3A_594 : i32 to index
      %get3A_606 = arith.constant 16 : index
      %get3A_607 = tpu.vector_load %arg5[%get3A_605, %get3A_606] {strides = array<i32>} : memref<512x64xf32, #tpu.memory_space<vmem>>, vector<16xf32>,
      %get3A_608 = arith.index_cast %add3A_594 : i32 to index
      %get3A_609 = arith.constant 16 : index
      %get3A_610 = tpu.vector_load %arg6[%get3A_608, %get3A_609] {strides = array<i32>} : memref<512x64xf32, #tpu.memory_space<vmem>>, vector<16xf32>,
      %mul3A_611 = arith.mulf %get3A_607, %get3A_610 : vector<16xf32>
      %add3A_612 = arith.addf %add3A_604, %mul3A_611 : vector<16xf32>
      %get3A_613 = arith.index_cast %add3A_594 : i32 to index
      %get3A_614 = arith.constant 32 : index
      %get3A_615 = tpu.vector_load %arg5[%get3A_613, %get3A_614] {strides = array<i32>} : memref<512x64xf32, #tpu.memory_space<vmem>>, vector<16xf32>,
      %get3A_616 = arith.index_cast %add3A_594 : i32 to index
      %get3A_617 = arith.constant 32 : index
      %get3A_618 = tpu.vector_load %arg6[%get3A_616, %get3A_617] {strides = array<i32>} : memref<512x64xf32, #tpu.memory_space<vmem>>, vector<16xf32>,
      %mul3A_619 = arith.mulf %get3A_615, %get3A_618 : vector<16xf32>
      %add3A_620 = arith.addf %add3A_612, %mul3A_619 : vector<16xf32>
      %get3A_621 = arith.index_cast %add3A_594 : i32 to index
      %get3A_622 = arith.constant 48 : index
      %get3A_623 = tpu.vector_load %arg5[%get3A_621, %get3A_622] {strides = array<i32>} : memref<512x64xf32, #tpu.memory_space<vmem>>, vector<16xf32>,
      %get3A_624 = arith.index_cast %add3A_594 : i32 to index
      %get3A_625 = arith.constant 48 : index
      %get3A_626 = tpu.vector_load %arg6[%get3A_624, %get3A_625] {strides = array<i32>} : memref<512x64xf32, #tpu.memory_space<vmem>>, vector<16xf32>,
      %mul3A_627 = arith.mulf %get3A_623, %get3A_626 : vector<16xf32>
      %add3A_628 = arith.addf %add3A_620, %mul3A_627 : vector<16xf32>
      %eq3A_629 = arith.constant 13 : i32
      %eq3A_630 = vector.broadcast %eq3A_629 : i32 to vector<16xi32>
      %eq3A_631 = arith.cmpi eq, %iota3A, %eq3A_630 : vector<16xi32>
      %reduce_sum3A_632 = arith.constant true
      %reduce_sum3A_633 = vector.broadcast %reduce_sum3A_632 : i1 to vector<16xi1>
      %reduce_sum3A_634 = tpu.scan <sum>, %add3A_628 masked %reduce_sum3A_633 : vector<16xf32>, vector<16xi1> -> vector<16xf32>
      %reduce_sum3A_635 = vector.extract %reduce_sum3A_634[15] : f32 from vector<16xf32>
      %broadcast_in_dim3A_636 = vector.broadcast %reduce_sum3A_635 : f32 to vector<16xf32>
      %select_n3A_637 = arith.select %eq3A_631, %broadcast_in_dim3A_636, %select_n3A_592 : vector<16xi1>, vector<16xf32>
      %add3A_638 = arith.constant 14 : i32
      %add3A_639 = arith.addi %mul3A_10, %add3A_638 : i32
      %broadcast_in_dim3A_640 = arith.constant 0.000000e+00 : f32
      %broadcast_in_dim3A_641 = vector.broadcast %broadcast_in_dim3A_640 : f32 to vector<16xf32>
      %get3A_642 = arith.index_cast %add3A_639 : i32 to index
      %get3A_643 = arith.constant 0 : index
      %get3A_644 = tpu.vector_load %arg5[%get3A_642, %get3A_643] {strides = array<i32>} : memref<512x64xf32, #tpu.memory_space<vmem>>, vector<16xf32>,
      %get3A_645 = arith.index_cast %add3A_639 : i32 to index
      %get3A_646 = arith.constant 0 : index
      %get3A_647 = tpu.vector_load %arg6[%get3A_645, %get3A_646] {strides = array<i32>} : memref<512x64xf32, #tpu.memory_space<vmem>>, vector<16xf32>,
      %mul3A_648 = arith.mulf %get3A_644, %get3A_647 : vector<16xf32>
      %add3A_649 = arith.addf %broadcast_in_dim3A_641, %mul3A_648 : vector<16xf32>
      %get3A_650 = arith.index_cast %add3A_639 : i32 to index
      %get3A_651 = arith.constant 16 : index
      %get3A_652 = tpu.vector_load %arg5[%get3A_650, %get3A_651] {strides = array<i32>} : memref<512x64xf32, #tpu.memory_space<vmem>>, vector<16xf32>,
      %get3A_653 = arith.index_cast %add3A_639 : i32 to index
      %get3A_654 = arith.constant 16 : index
      %get3A_655 = tpu.vector_load %arg6[%get3A_653, %get3A_654] {strides = array<i32>} : memref<512x64xf32, #tpu.memory_space<vmem>>, vector<16xf32>,
      %mul3A_656 = arith.mulf %get3A_652, %get3A_655 : vector<16xf32>
      %add3A_657 = arith.addf %add3A_649, %mul3A_656 : vector<16xf32>
      %get3A_658 = arith.index_cast %add3A_639 : i32 to index
      %get3A_659 = arith.constant 32 : index
      %get3A_660 = tpu.vector_load %arg5[%get3A_658, %get3A_659] {strides = array<i32>} : memref<512x64xf32, #tpu.memory_space<vmem>>, vector<16xf32>,
      %get3A_661 = arith.index_cast %add3A_639 : i32 to index
      %get3A_662 = arith.constant 32 : index
      %get3A_663 = tpu.vector_load %arg6[%get3A_661, %get3A_662] {strides = array<i32>} : memref<512x64xf32, #tpu.memory_space<vmem>>, vector<16xf32>,
      %mul3A_664 = arith.mulf %get3A_660, %get3A_663 : vector<16xf32>
      %add3A_665 = arith.addf %add3A_657, %mul3A_664 : vector<16xf32>
      %get3A_666 = arith.index_cast %add3A_639 : i32 to index
      %get3A_667 = arith.constant 48 : index
      %get3A_668 = tpu.vector_load %arg5[%get3A_666, %get3A_667] {strides = array<i32>} : memref<512x64xf32, #tpu.memory_space<vmem>>, vector<16xf32>,
      %get3A_669 = arith.index_cast %add3A_639 : i32 to index
      %get3A_670 = arith.constant 48 : index
      %get3A_671 = tpu.vector_load %arg6[%get3A_669, %get3A_670] {strides = array<i32>} : memref<512x64xf32, #tpu.memory_space<vmem>>, vector<16xf32>,
      %mul3A_672 = arith.mulf %get3A_668, %get3A_671 : vector<16xf32>
      %add3A_673 = arith.addf %add3A_665, %mul3A_672 : vector<16xf32>
      %eq3A_674 = arith.constant 14 : i32
      %eq3A_675 = vector.broadcast %eq3A_674 : i32 to vector<16xi32>
      %eq3A_676 = arith.cmpi eq, %iota3A, %eq3A_675 : vector<16xi32>
      %reduce_sum3A_677 = arith.constant true
      %reduce_sum3A_678 = vector.broadcast %reduce_sum3A_677 : i1 to vector<16xi1>
      %reduce_sum3A_679 = tpu.scan <sum>, %add3A_673 masked %reduce_sum3A_678 : vector<16xf32>, vector<16xi1> -> vector<16xf32>
      %reduce_sum3A_680 = vector.extract %reduce_sum3A_679[15] : f32 from vector<16xf32>
      %broadcast_in_dim3A_681 = vector.broadcast %reduce_sum3A_680 : f32 to vector<16xf32>
      %select_n3A_682 = arith.select %eq3A_676, %broadcast_in_dim3A_681, %select_n3A_637 : vector<16xi1>, vector<16xf32>
      %add3A_683 = arith.constant 15 : i32
      %add3A_684 = arith.addi %mul3A_10, %add3A_683 : i32
      %broadcast_in_dim3A_685 = arith.constant 0.000000e+00 : f32
      %broadcast_in_dim3A_686 = vector.broadcast %broadcast_in_dim3A_685 : f32 to vector<16xf32>
      %get3A_687 = arith.index_cast %add3A_684 : i32 to index
      %get3A_688 = arith.constant 0 : index
      %get3A_689 = tpu.vector_load %arg5[%get3A_687, %get3A_688] {strides = array<i32>} : memref<512x64xf32, #tpu.memory_space<vmem>>, vector<16xf32>,
      %get3A_690 = arith.index_cast %add3A_684 : i32 to index
      %get3A_691 = arith.constant 0 : index
      %get3A_692 = tpu.vector_load %arg6[%get3A_690, %get3A_691] {strides = array<i32>} : memref<512x64xf32, #tpu.memory_space<vmem>>, vector<16xf32>,
      %mul3A_693 = arith.mulf %get3A_689, %get3A_692 : vector<16xf32>
      %add3A_694 = arith.addf %broadcast_in_dim3A_686, %mul3A_693 : vector<16xf32>
      %get3A_695 = arith.index_cast %add3A_684 : i32 to index
      %get3A_696 = arith.constant 16 : index
      %get3A_697 = tpu.vector_load %arg5[%get3A_695, %get3A_696] {strides = array<i32>} : memref<512x64xf32, #tpu.memory_space<vmem>>, vector<16xf32>,
      %get3A_698 = arith.index_cast %add3A_684 : i32 to index
      %get3A_699 = arith.constant 16 : index
      %get3A_700 = tpu.vector_load %arg6[%get3A_698, %get3A_699] {strides = array<i32>} : memref<512x64xf32, #tpu.memory_space<vmem>>, vector<16xf32>,
      %mul3A_701 = arith.mulf %get3A_697, %get3A_700 : vector<16xf32>
      %add3A_702 = arith.addf %add3A_694, %mul3A_701 : vector<16xf32>
      %get3A_703 = arith.index_cast %add3A_684 : i32 to index
      %get3A_704 = arith.constant 32 : index
      %get3A_705 = tpu.vector_load %arg5[%get3A_703, %get3A_704] {strides = array<i32>} : memref<512x64xf32, #tpu.memory_space<vmem>>, vector<16xf32>,
      %get3A_706 = arith.index_cast %add3A_684 : i32 to index
      %get3A_707 = arith.constant 32 : index
      %get3A_708 = tpu.vector_load %arg6[%get3A_706, %get3A_707] {strides = array<i32>} : memref<512x64xf32, #tpu.memory_space<vmem>>, vector<16xf32>,
      %mul3A_709 = arith.mulf %get3A_705, %get3A_708 : vector<16xf32>
      %add3A_710 = arith.addf %add3A_702, %mul3A_709 : vector<16xf32>
      %get3A_711 = arith.index_cast %add3A_684 : i32 to index
      %get3A_712 = arith.constant 48 : index
      %get3A_713 = tpu.vector_load %arg5[%get3A_711, %get3A_712] {strides = array<i32>} : memref<512x64xf32, #tpu.memory_space<vmem>>, vector<16xf32>,
      %get3A_714 = arith.index_cast %add3A_684 : i32 to index
      %get3A_715 = arith.constant 48 : index
      %get3A_716 = tpu.vector_load %arg6[%get3A_714, %get3A_715] {strides = array<i32>} : memref<512x64xf32, #tpu.memory_space<vmem>>, vector<16xf32>,
      %mul3A_717 = arith.mulf %get3A_713, %get3A_716 : vector<16xf32>
      %add3A_718 = arith.addf %add3A_710, %mul3A_717 : vector<16xf32>
      %eq3A_719 = arith.constant 15 : i32
      %eq3A_720 = vector.broadcast %eq3A_719 : i32 to vector<16xi32>
      %eq3A_721 = arith.cmpi eq, %iota3A, %eq3A_720 : vector<16xi32>
      %reduce_sum3A_722 = arith.constant true
      %reduce_sum3A_723 = vector.broadcast %reduce_sum3A_722 : i1 to vector<16xi1>
      %reduce_sum3A_724 = tpu.scan <sum>, %add3A_718 masked %reduce_sum3A_723 : vector<16xf32>, vector<16xi1> -> vector<16xf32>
      %reduce_sum3A_725 = vector.extract %reduce_sum3A_724[15] : f32 from vector<16xf32>
      %broadcast_in_dim3A_726 = vector.broadcast %reduce_sum3A_725 : f32 to vector<16xf32>
      %select_n3A_727 = arith.select %eq3A_721, %broadcast_in_dim3A_726, %select_n3A_682 : vector<16xi1>, vector<16xf32>
      %swap3A = arith.index_cast %mul3A_10 : i32 to index
      %swap3A_728 = tpu.vector_load %arg7[%swap3A] {strides = array<i32>} : memref<512xf32, #tpu.memory_space<vmem>>, vector<16xf32>,
      tpu.vector_store %arg7[%swap3A], %select_n3A_727 {strides = array<i32>} : memref<512xf32, #tpu.memory_space<vmem>>, vector<16xf32>,
    }
    %scan3A_7 = arith.constant 32 : i32
    "tpu.region"() ({
      %run_scoped3A = tpu.sem_alloc : memref<!tpu.dma_semaphore, #tpu.memory_space<semaphore_mem>>
      %dma_start3A = tpu.memref_slice %arg4[%mul3A_2] : memref<16384xf32, #tpu.memory_space<hbm>> -> memref<512xf32, #tpu.memory_space<hbm>>
      %dma_start3A_8 = tpu.memref_slice %arg4[%mul3A_2] : memref<16384xf32, #tpu.memory_space<hbm>> -> memref<512xf32, #tpu.memory_space<hbm>>
      tpu.enqueue_dma source(%arg7 : memref<512xf32, #tpu.memory_space<vmem>>) target(%dma_start3A_8 : memref<512xf32, #tpu.memory_space<hbm>>) target_semaphore(%run_scoped3A : memref<!tpu.dma_semaphore, #tpu.memory_space<semaphore_mem>>)
      %dma_wait3A = tpu.memref_slice %arg4[%mul3A_2] : memref<16384xf32, #tpu.memory_space<hbm>> -> memref<512xf32, #tpu.memory_space<hbm>>
      %dma_wait3A_9 = tpu.memref_slice %arg4[%mul3A_2] : memref<16384xf32, #tpu.memory_space<hbm>> -> memref<512xf32, #tpu.memory_space<hbm>>
      tpu.wait_dma2 semaphore(%run_scoped3A : memref<!tpu.dma_semaphore, #tpu.memory_space<semaphore_mem>>) src(%arg7 : memref<512xf32, #tpu.memory_space<vmem>>) dst(%dma_wait3A_9 : memref<512xf32, #tpu.memory_space<hbm>>)
      tpu.yield
    }) : () -> ()
    return
  }
}

</mosaic_0001>

<sc_bundles>
// kernel: _run.11.cloned.1.call-start
scs
__scs_entry_jumppad:
0x0: {  	(pc) =	sbr.rel $0x88, $3  }
0x1: {  	(tag) =	ssettag $0x0;
	lr =	simm.s32 $0x1  }
0x2: {  	[smem:$0x3F9D] =	sst lr;
	_ =	strace $0xD0000000  }
0x3: {  	_ = 	snop  }
0x4: {  	_ = 	snop  }
0x5: {  	_ = 	snop  }
0x6: {  	_ = 	snop  }
0x7: {  	_ = 	snop  }
__scs_overlays_trampoline_lowered:
0x8: {  	[smem:$0x3FAC] =	sst s0  }
0x9: {  	[smem:$0x3FAD] =	sst s1  }
0xa: {  	[smem:$0x3FAE] =	sst s2  }
0xb: {  	[smem:$0x3FAF] =	sst s3  }
0xc: {  	[smem:$0x3FB0] =	sst s4  }
0xd: {  	[smem:$0x3FB1] =	sst s5  }
0xe: {  	[smem:$0x3FB2] =	sst s6  }
0xf: {  	[smem:$0x3FB3] =	sst s7  }
0x10: {  	[smem:$0x3FB4] =	sst s8  }
0x11: {  	[smem:$0x3FB5] =	sst s9;
	s0 =	simm.s32 @!p0 $0x0  }
0x12: {  	s1 =	sld [smem:$0x3F9B];
	s0 =	simm.s32 @p0 $0x1  }
0x13: {  	[smem:$0x3FB6] =	sst s0;
	s0 =	simm.s32 @!p1 $0x0  }
0x14: {  	s2 =	sld [smem:$0x3F9A];
	s0 =	simm.s32 @p1 $0x1  }
0x15: {  	[smem:$0x3FB7] =	sst s0;
	s0 =	simm.s32 @!p2 $0x0  }
0x16: {  	s3 =	sld [smem:$0x3FDB];
	s0 =	simm.s32 @p2 $0x1  }
0x17: {  	s4 =	simm.s32 $0x1BF5;
	[smem:$0x3FB9] =	sst s0  }
0x18: {  	s0 =	sld [smem:$0x3F9C];
	_ =	swait.ge [sflag:s4], $0x0  }
0x19: {  	s7 =	sld [smem:$0x3F9D]  }
0x1a: {  	s8 =	sadd.s32 $0xFFFFE003, lr  }
0x1b: {  	s9 =	sadd.s32 $0xFFFFFEF7, lr;
	s5 =	simm.s32 $0xFFFFFFFF;
	p2 =	slt.u32 s8, $0xFFFFF086  }
0x1c: {  	p1 =	slt.u32 s9, $0xF7A;
	s5 =	simm.s32 @!p2 $0x0  }
0x1d: {  	s5 =	simm.s32 @p1 $0x1;
	p0 =	seq.s32 s7, s2  }
0x1e: {  	s7 =	smul.u32 @!p0 $0xF7A, s2;
	p2 =	seq.s32 @!p0 s5, $0x0  }
0x1f: {  	s9 =	smul.u32 $0xF7A, s1;
	s8 =	simm.s32 @!p0 $0x1BF5;
	p2 =	por !p2, p0  }
0x20: {  	[sflag:s8] =	ssyncset.s32 @!p0 $0xFFFFF086;
	s6 =	sadd.s32 @!p0 s3, s7;
	s7 =	simm.s32 @!p0 $0x108  }
0x21: {  	s3 =	sadd.s32 s3, s9;
	s6 =	sadd.s32 @!p0 $0x88, s6;
	s7 =	simm.s32 @p2 $0x1082  }
0x22: {  	[simem:s7], [sflag:s8] =	dma.local @!p0 [hbm:s6], $0xF7A  }
0x23: {  	s9 =	sor.u32 $0xD0000000, s2;
	s6 =	simm.s32 $0x108;
	_ =	swait.ge @!p0 [sflag:s8], $0x0  }
0x24: {  	s3 =	sadd.s32 $0x88, s3;
	s6 =	simm.s32 @!p1 $0x1082;
	[sflag:s4] =	ssyncset.s32 $0xFFFFF086  }
0x25: {  	[simem:s6], [sflag:s4] =	dma.local [hbm:s3], $0xF7A  }
0x26: {  	[smem:$0x3F9D] =	sst s1;
	(tag) =	ssettag s2;
	_ =	strace s9  }
0x27: {  	s1 =	sld [smem:$0x3FAD]  }
0x28: {  	s2 =	sld [smem:$0x3FAE]  }
0x29: {  	s4 =	sld [smem:$0x3FB0]  }
0x2a: {  	p0 =	seq.s32 s5, $0x0;
	s5 =	sld [smem:$0x3FB1]  }
0x2b: {  	s6 =	sld [smem:$0x3FB2]  }
0x2c: {  	s7 =	sld [smem:$0x3FB3]  }
0x2d: {  	s3 =	simm.s32 $0x108;
	s8 =	sld [smem:$0x3FB4]  }
0x2e: {  	s3 =	simm.s32 @!p0 $0x1082;
	s9 =	sld [smem:$0x3FB5]  }
0x2f: {  	lr =	sadd.s32 s0, s3;
	s0 =	sld [smem:$0x3FAC]  }
0x30: {  	s3 =	sld [smem:$0x3FAF]  }
0x31: {  	[smem:$0x3FB8] =	sst s10  }
0x32: {  	s10 =	sld [smem:$0x3FB6];
	_ =	sdelay $0x3  }
0x33: {  	p0 =	seq.s32 s10, $0x1;
	s10 =	sld [smem:$0x3FB8];
	_ =	sdelay $0x3  }
0x34: {  	[smem:$0x3FB8] =	sst s10  }
0x35: {  	s10 =	sld [smem:$0x3FB7];
	_ =	sdelay $0x3  }
0x36: {  	p1 =	seq.s32 s10, $0x1;
	s10 =	sld [smem:$0x3FB8];
	_ =	sdelay $0x3  }
0x37: {  	[smem:$0x3FB8] =	sst s10  }
0x38: {  	s10 =	sld [smem:$0x3FB9]  }
0x39: {  	_ = 	snop;
	(pc) =	sbr.ind lr, $3  }
0x3a: {  	_ = 	snop  }
0x3b: {  	_ = 	snop  }
0x3c: {  	p2 =	seq.s32 s10, $0x1;
	s10 =	sld [smem:$0x3FB8]  }
0x3d: {  	_ =	shalt  }
0x3e: {  	_ =	shalt  }
0x3f: {  	_ =	shalt  }
0x40: {  	_ =	shalt  }
0x41: {  	_ =	shalt  }
0x42: {  	_ =	shalt  }
0x43: {  	_ =	shalt  }
0x44: {  	_ =	shalt  }
0x45: {  	_ =	shalt  }
0x46: {  	_ =	shalt  }
0x47: {  	_ =	shalt  }
0x48: {  	_ =	shalt  }
0x49: {  	_ =	shalt  }
0x4a: {  	_ =	shalt  }
0x4b: {  	_ =	shalt  }
0x4c: {  	_ =	shalt  }
0x4d: {  	_ =	shalt  }
0x4e: {  	_ =	shalt  }
0x4f: {  	_ =	shalt  }
0x50: {  	_ =	shalt  }
0x51: {  	_ =	shalt  }
0x52: {  	_ =	shalt  }
0x53: {  	_ =	shalt  }
0x54: {  	_ =	shalt  }
0x55: {  	_ =	shalt  }
0x56: {  	_ =	shalt  }
0x57: {  	_ =	shalt  }
0x58: {  	_ =	shalt  }
0x59: {  	_ =	shalt  }
0x5a: {  	_ =	shalt  }
0x5b: {  	_ =	shalt  }
0x5c: {  	_ =	shalt  }
0x5d: {  	_ =	shalt  }
0x5e: {  	_ =	shalt  }
0x5f: {  	_ =	shalt  }
0x60: {  	_ =	shalt  }
0x61: {  	_ =	shalt  }
0x62: {  	_ =	shalt  }
0x63: {  	_ =	shalt  }
0x64: {  	_ =	shalt  }
0x65: {  	_ =	shalt  }
0x66: {  	_ =	shalt  }
0x67: {  	_ =	shalt  }
0x68: {  	_ =	shalt  }
0x69: {  	_ =	shalt  }
0x6a: {  	_ =	shalt  }
0x6b: {  	_ =	shalt  }
0x6c: {  	_ =	shalt  }
0x6d: {  	_ =	shalt  }
0x6e: {  	_ =	shalt  }
0x6f: {  	_ =	shalt  }
0x70: {  	_ =	shalt  }
0x71: {  	_ =	shalt  }
0x72: {  	_ =	shalt  }
0x73: {  	_ =	shalt  }
0x74: {  	_ =	shalt  }
0x75: {  	_ =	shalt  }
0x76: {  	_ =	shalt  }
0x77: {  	_ =	shalt  }
0x78: {  	_ =	shalt  }
0x79: {  	_ =	shalt  }
0x7a: {  	_ =	shalt  }
0x7b: {  	_ =	shalt  }
0x7c: {  	_ =	shalt  }
0x7d: {  	_ =	shalt  }
0x7e: {  	_ =	shalt  }
0x7f: {  	_ =	shalt  }
0x80: {  	_ =	shalt  }
0x81: {  	_ =	shalt  }
0x82: {  	_ =	shalt  }
0x83: {  	_ =	shalt  }
0x84: {  	_ =	shalt  }
0x85: {  	_ =	shalt  }
0x86: {  	_ =	shalt  }
0x87: {  	_ =	shalt  }
.Lfunc_end0:
.L_simem_size_0:
called_computation.2_lowered:
.L_overlay_start_0:
0x88: {  	s2 =	sld [smem:$0x3FD9]  }
0x89: {  	s3 =	sld [smem:$0x3FFE];
	_ =	sdelay $0x1  }
0x8a: {  	s1 =	srdreg.scid  }
0x8b: {  	s0 =	sand.u32 $0x1, s1  }
0x8c: {  	s17 =	sshll.u32 s0, $0xA;
	s2 =	sadd.s32 s3, s2  }
0x8d: {  	s2 =	sadd.s32 s2, s17  }
0x8e: {  	[smem:$0x3FC4] =	sst s2  }
0x8f: {  	_ = 	snop  }
0x90: {  	s2 =	sld [smem:$0x3FD0];
	(tm) =	ssettm $0x1  }
0x91: {  	s18 =	sld [smem:$0x3FFB];
	_ =	sdelay $0x3  }
0x92: {  	_ =	strace s18  }
0x93: {  	s3 =	sld [smem:$0x3FFC];
	_ =	sdelay $0x3  }
0x94: {  	_ =	strace s3  }
0x95: {  	s3 =	sld [smem:$0x3FFD];
	_ =	sdelay $0x3  }
0x96: {  	_ =	strace s3  }
0x97: {  	_ =	strace $0x8FFFFFFF  }
0x98: {  	s19 =	sld [smem:$0x3FDB];
	_ =	sdelay $0x1  }
0x99: {  	s4 =	simm.s32 $_scs_section_size  }
0x9a: {  	s5 =	simm.s32 $_size__tile_overlayer_lowered;
	s6 =	simm.s32 $_tile_overlayer_lowered  }
0x9b: {  	s22 =	simm.s32 $0x1BFF;
	s21 =	sshll.u32 s6, $0x1;
	s3 =	sadd.s32 s4, s19  }
0x9c: {  	s7 =	simm.s32 $0x0;
	s20 =	sshll.u32 s5, $0x1;
	s5 =	sadd.s32 s21, s3  }
0x9d: {  	[timem:s7], [sflag:s22] =	dma.local [hbm:s5], s20  }
0x9e: {  	_ =	swait.ge [sflag:s22], s20  }
0x9f: {  	s4 =	ssub.s32 $0x0, s20;
	[sflag:s22] =	ssyncset.done $0x0  }
0xa0: {  	[sflag:s22] =	ssyncadd.s32 s4;
	_ =	sdelay $0x1  }
0xa1: {  	s23 =	simm.s32 $0x1B8B  }
0xa2: {  	_ =	swait.ge [sflag:s23], $0x1  }
0xa3: {  	[sflag:s23] =	ssyncset.done $0x0  }
0xa4: {  	s25 =	simm.s32 $0x1B8E;
	s24 =	sld [smem:$0x3FFE];
	[sflag:s23] =	ssyncadd.s32 $0xFFFFFFFF  }
0xa5: {  	s26 =	simm.s32 $execute0_lowered;
	[smem:$0x3FD2] =	sst s25  }
0xa6: {  	s5 =	sshll.u32 s26, $0x1;
	_ =	strace $0x8000004C;
	[dreg:$0x1] =	wrdreg $0xFFFFFFFF  }
0xa7: {  	s28 =	simm.s32 $_size_execute0_lowered;
	s3 =	sadd.s32 s3, s5;
	[dreg:$0x0] =	wrdreg $0x0  }
0xa8: {  	s5 =	sshll.u32 s28, $0x1;
	[dreg:$0x2] =	wrdreg s3  }
0xa9: {  	[dreg:$0x3] =	wrdreg s5  }
0xaa: {  	[dreg:$0x4] =	wrdreg $0xC0  }
0xab: {  	_ =	task [dreg:s7], $0x5FFFF  }
0xac: {  	[dreg:$0x1] =	wrdreg $0xFFFFFFFF  }
0xad: {  	[dreg:$0x0] =	wrdreg $0x60  }
0xae: {  	[dreg:$0x2] =	wrdreg s24  }
0xaf: {  	[dreg:$0x3] =	wrdreg s2  }
0xb0: {  	[dreg:$0x4] =	wrdreg $0x9  }
0xb1: {  	_ =	task.clear_ibuf [dreg:s7], $0x5FFFF;
	_ =	strace $0x9000004C  }
0xb2: {  	s29 =	simm.s32 $0x9;
	_ =	strace $0x8000004E  }
0xb3: {  	_ =	swait.ge [sflag:s29], $0x1  }
0xb4: {  	[sflag:s29] =	ssyncadd.s32 $0xFFFFFFFF  }
0xb5: {  	_ =	strace $0x9000004E  }
0xb6: {  	_ =	sfence  }
0xb7: {  	s30 =	sld [smem:$0x0];
	_ =	sdelay $0x2  }
0xb8: {  	s31 =	sshll.u32 s1, $0xD;
	s1 =	sshrl.u32 s1, $0x2  }
0xb9: {  	s3 =	sand.u32 $0x4000, s31;
	s1 =	sadd.s32 s1, s30  }
0xba: {  	s0 =	sor.u32 s3, s0;
	s1 =	sshll.u32 s1, $0x11  }
0xbb: {  	s0 =	sor.u32 s1, s0  }
0xbc: {  	s0 =	sadd.s32 $0x8F2B, s0  }
0xbd: {  	[sflag:s0] =	ssyncadd.remote.s32 $0x1  }
0xbe: {  	_ =	sfence.sel $0xFFFF  }
0xbf: {  	[dreg:$0x0] =	wrdreg $0xFFFFFFFF;
	(pc) =	sbr.abs _section_cstart, $3  }
0xc0: {  	[dreg:$0x1] =	wrdreg $0xFFFFFFFF  }
0xc1: {  	_ =	task.clear_ibuf [dreg:s7], $0x2FFFF;
	_ =	strace $0x9FFFFFFF  }
0xc2: {  	(tm) =	ssettm $0x7FFFFFFF  }
0xc3: {  	_ =	shalt  }
tec
execute0_lowered:
.L_overlay_start_1:
0x0: {  	(tag) =	ssettag $0x1  }
0x1: {  	s3 =	rddreg [dreg:$0x0];
	s0 =	srdreg.scid  }
0x2: {  	s5 =	rddreg [dreg:$0x1];
	s1 =	stileid.u32;
	s2 =	simm.s32 $0x0  }
0x3: {  	s9 =	simm.s32 $0x10000;
	s10 =	simm.s32 $0x0;
	s4 =	sand.u32 $0x1, s0  }
0x4: {  	s0 =	rddreg [dreg:$0x2];
	s6 =	sshll.u32 s1, $0xA;
	s7 =	sshll.u32 s4, $0x9  }
0x5: {  	vm0 =	vmmov $0x1;
	vm1 =	vmmov $0x3;
	vm2 =	vmmov $0x7;
	[smem:$0x7FF] =	sst s2;
	s4 =	ssub.s32 $0x2, s4;
	s6 =	sor.u32 s7, s6  }
0x6: {  	vm3 =	vmmov $0xf;
	vm4 =	vmmov $0x1f;
	vm5 =	vmmov $0x3f;
	_ =	strace $0x8000004D;
	s8 =	sshrl.u32 s4, $0x1;
	s7 =	sshll.u32 s6, $0x3  }
0x7: {  	vm6 =	vmmov $0x7f;
	vm7 =	vmmov $0xff;
	vm8 =	vmmov $0x1ff;
	s8 =	ssub.s32 s4, s8;
	s6 =	sshrl.u32 s6, $0x3;
	s7 =	sadd.s32 s7, s3  }
0x8: {  	vm9 =	vmmov $0x3ff;
	vm10 =	vmmov $0x7ff;
	vm11 =	vmmov $0xfff;
	s5 =	sadd.s32 s5, s6;
	s6 =	smax.u32 s8, $0x1;
	s8 =	simm.s32 $0x8000  }
0x9: {  	vm12 =	vmmov $0x1fff;
	vm13 =	vmmov $0x3fff;
	vm14 =	vmmov $0x7fff;
	s3 =	sadd.s32 $0xC00, s7;
	s4 =	sadd.s32 $0x7C1E00, s7;
	s7 =	simm.s32 $0x1  }
.LBB2_1:
0xa: {  	[tilespmem:s2], [sflag:$0x1] =	stream.linear.gather [hbm4b:s3+s2], $0x8000, $0x38;
	[tilespmem:$0x10200] =	vst v63  }
0xb: {  	_ =	swait.ge [sflag:s7], $0x8000  }
0xc: {  	[sflag:s7] =	ssyncset.done $0x0  }
0xd: {  	[sflag:s7] =	ssyncadd.s32 $0xFFFF8000  }
0xe: {  	[tilespmem:s8], [sflag:$0x1] =	stream.linear.gather [hbm4b:s4+s2], $0x8000, $0x38;
	[tilespmem:$0x10200] =	vst v63  }
0xf: {  	_ =	swait.ge [sflag:s7], $0x8000  }
0x10: {  	[sflag:s7] =	ssyncset.done $0x0  }
0x11: {  	s11 =	simm.s32 $0x0;
	[sflag:s7] =	ssyncadd.s32 $0xFFFF8000  }
0x12: {  	v20 =	vld [tilespmem:s11+$0x3B0]  }
0x13: {  	v21 =	vld [tilespmem:s11+$0x83B0]  }
0x14: {  	v0 =	vld [tilespmem:s11+$0x3D0]  }
0x15: {  	v52 =	vld [tilespmem:s11+$0x83D0]  }
0x16: {  	v22 =	vld [tilespmem:s11+$0x3A0]  }
0x17: {  	v23 =	vld [tilespmem:s11+$0x83A0]  }
0x18: {  	v53 =	vld [tilespmem:s11+$0x3C0]  }
0x19: {  	v54 =	vld [tilespmem:s11+$0x83C0]  }
0x1a: {  	v24 =	vld [tilespmem:s11+$0x330]  }
0x1b: {  	v25 =	vld [tilespmem:s11+$0x8330]  }
0x1c: {  	v55 =	vld [tilespmem:s11+$0x360]  }
0x1d: {  	v26 =	vld [tilespmem:s11+$0x390]  }
0x1e: {  	v27 =	vld [tilespmem:s11+$0x8390]  }
0x1f: {  	v28 =	vld [tilespmem:s11+$0x2F0]  }
0x20: {  	v29 =	vld [tilespmem:s11+$0x82F0]  }
0x21: {  	v30 =	vld [tilespmem:s11+$0x320]  }
0x22: {  	v31 =	vld [tilespmem:s11+$0x8320]  }
0x23: {  	v56 =	vld [tilespmem:s11+$0x350]  }
0x24: {  	v57 =	vld [tilespmem:s11+$0x8350]  }
0x25: {  	v32 =	vld [tilespmem:s11+$0x380]  }
0x26: {  	v33 =	vld [tilespmem:s11+$0x8380]  }
0x27: {  	v34 =	vld [tilespmem:s11+$0x2E0]  }
0x28: {  	v35 =	vld [tilespmem:s11+$0x82E0]  }
0x29: {  	v36 =	vld [tilespmem:s11+$0x310]  }
0x2a: {  	v37 =	vld [tilespmem:s11+$0x8310]  }
0x2b: {  	v58 =	vld [tilespmem:s11+$0x340]  }
0x2c: {  	v59 =	vld [tilespmem:s11+$0x8340]  }
0x2d: {  	v38 =	vld [tilespmem:s11+$0x270]  }
0x2e: {  	v39 =	vld [tilespmem:s11+$0x8270]  }
0x2f: {  	v60 =	vld [tilespmem:s11+$0x2A0]  }
0x30: {  	v40 =	vld [tilespmem:s11+$0x2D0]  }
0x31: {  	v41 =	vld [tilespmem:s11+$0x82D0]  }
0x32: {  	v42 =	vld [tilespmem:s11+$0x300]  }
0x33: {  	v43 =	vld [tilespmem:s11+$0x8300]  }
0x34: {  	v44 =	vld [tilespmem:s11+$0x230]  }
0x35: {  	v45 =	vld [tilespmem:s11+$0x8230]  }
0x36: {  	v46 =	vld [tilespmem:s11+$0x260]  }
0x37: {  	v47 =	vld [tilespmem:s11+$0x8260]  }
0x38: {  	v61 =	vld [tilespmem:s11+$0x290]  }
0x39: {  	v62 =	vld [tilespmem:s11+$0x8290]  }
0x3a: {  	v48 =	vld [tilespmem:s11+$0x2C0]  }
0x3b: {  	v49 =	vld [tilespmem:s11+$0x82C0]  }
0x3c: {  	v50 =	vld [tilespmem:s11+$0x220]  }
0x3d: {  	v51 =	vld [tilespmem:s11+$0x8220]  }
0x3e: {  	v63 =	vld [tilespmem:s11+$0x280]  }
0x3f: {  	v4 =	vld [tilespmem:s11+$0x8280]  }
0x40: {  	v5 =	vld [tilespmem:s11+$0x1E0]  }
0x41: {  	v6 =	vld [tilespmem:s11+$0x1D0]  }
0x42: {  	v7 =	vld [tilespmem:s11+$0x81D0]  }
0x43: {  	v3 =	vld [tilespmem:s11+$0x200]  }
0x44: {  	v10 =	vld [tilespmem:s11+$0x160]  }
0x45: {  	v9 =	vld [tilespmem:s11+$0x8160]  }
0x46: {  	v1 =	vld [tilespmem:s11+$0x1C0]  }
0x47: {  	v8 =	vld [tilespmem:s11+$0x81C0]  }
0x48: {  	v16 =	vld [tilespmem:s11+$0xF0]  }
0x49: {  	v15 =	vld [tilespmem:s11+$0x80F0]  }
0x4a: {  	v11 =	vld [tilespmem:s11+$0x120]  }
0x4b: {  	v2 =	vld [tilespmem:s11+$0x180]  }
0x4c: {  	v14 =	vld [tilespmem:s11+$0xB0]  }
0x4d: {  	v13 =	vld [tilespmem:s11+$0x80B0]  }
0x4e: {  	v12 =	vld [tilespmem:s11+$0xE0]  }
0x4f: {  	v19 =	vld [tilespmem:s11+$0x110]  }
0x50: {  	v18 =	vld [tilespmem:s11+$0x8110]  }
0x51: {  	v17 =	vld [tilespmem:s11+$0x30]  }
0x52: {  	[tilespmem:$0x1FEC0] =	vst v52;
	v52 =	vld [tilespmem:s11+$0x250]  }
0x53: {  	[tilespmem:$0x1FE90] =	vst v53;
	v53 =	vld [tilespmem:s11+$0x8250]  }
0x54: {  	[tilespmem:$0x1FEA0] =	vst v54;
	v54 =	vld [tilespmem:s11+$0x1B0]  }
0x55: {  	[tilespmem:$0x1FE80] =	vst v55;
	v55 =	vld [tilespmem:s11+$0x81B0]  }
0x56: {  	[tilespmem:$0x1FE60] =	vst v56;
	v56 =	vld [tilespmem:s11+$0x210]  }
0x57: {  	[tilespmem:$0x1FE70] =	vst v57;
	v57 =	vld [tilespmem:s11+$0x8210]  }
0x58: {  	[tilespmem:$0x1FE30] =	vst v58;
	v58 =	vld [tilespmem:s11+$0x240]  }
0x59: {  	[tilespmem:$0x1FE40] =	vst v59;
	v59 =	vld [tilespmem:s11+$0x8240]  }
0x5a: {  	[tilespmem:$0x1FE50] =	vst v60;
	v60 =	vld [tilespmem:s11+$0x170]  }
0x5b: {  	[tilespmem:$0x1FE10] =	vst v61;
	v61 =	vld [tilespmem:s11+$0x8170]  }
0x5c: {  	[tilespmem:$0x1FE20] =	vst v62;
	v62 =	vld [tilespmem:s11+$0x1A0]  }
0x5d: {  	[tilespmem:$0x1FDE0] =	vst v63;
	v63 =	vld [tilespmem:s11+$0x81A0]  }
0x5e: {  	[tilespmem:$0x1FEB0] =	vst v0;
	v0 =	vld [tilespmem:s11+$0x8200]  }
0x5f: {  	[tilespmem:$0x1FDC0] =	vst v6;
	v6 =	vld [tilespmem:s11+$0x190]  }
0x60: {  	[tilespmem:$0x1FE00] =	vst v5;
	v5 =	vld [tilespmem:s11+$0x8190]  }
0x61: {  	[tilespmem:$0x1FDA0] =	vst v8;
	v8 =	vld [tilespmem:s11+$0x150]  }
0x62: {  	[tilespmem:$0x1FDD0] =	vst v7;
	v7 =	vld [tilespmem:s11+$0x8150]  }
0x63: {  	[tilespmem:$0x1FD90] =	vst v1;
	v1 =	vld [tilespmem:s11+$0x8180]  }
0x64: {  	[tilespmem:$0x1FDB0] =	vst v11;
	v11 =	vld [tilespmem:s11+$0x80E0]  }
0x65: {  	[tilespmem:$0x1FDF0] =	vst v4;
	v4 =	vld [tilespmem:s11+$0x140]  }
0x66: {  	v32 =	vmul.f32 v33, v32;
	v33 =	vld [tilespmem:s11+$0x8140]  }
0x67: {  	v42 =	vmul.f32 v43, v42;
	v43 =	vld [tilespmem:s11+$0xA0]  }
0x68: {  	v22 =	vmul.f32 v23, v22;
	v23 =	vld [tilespmem:s11+$0x80A0]  }
0x69: {  	v48 =	vmul.f32 v49, v48;
	v46 =	vmul.f32 v47, v46;
	v47 =	vld [tilespmem:s11+$0x8090]  }
0x6a: {  	v26 =	vmul.f32 v27, v26;
	v27 =	vadd.f32 $0.0e+00, v32;
	v32 =	vld [tilespmem:s11+$0x8030]  }
0x6b: {  	v49 =	vadd.f32 $0.0e+00, v48;
	v48 =	vld [tilespmem:s11+$0x80]  }
0x6c: {  	v26 =	vadd.f32 v26, v27;
	v27 =	vmul.f32 v37, v36;
	v37 =	vld [tilespmem:s11+$0xD0]  }
0x6d: {  	v36 =	vadd.f32 $0.0e+00, v42;
	v11 =	vmul.f32 v11, v12;
	v12 =	vld [tilespmem:s11+$0x60]  }
0x6e: {  	v22 =	vadd.f32 v22, v26;
	v26 =	vld [tilespmem:s11+$0x80D0]  }
0x6f: {  	v20 =	vmul.f32 v21, v20;
	v21 =	vadd.f32 v27, v36;
	v27 =	vmul.f32 v31, v30;
	v30 =	vld [tilespmem:s11+$0x100]  }
0x70: {  	v31 =	vmul.f32 v41, v40;
	v40 =	vld [tilespmem:s11+$0x8100]  }
0x71: {  	v41 =	vmul.f32 v53, v52;
	v52 =	vmul.f32 v63, v62;
	v63 =	vld [tilespmem:s11+$0x70]  }
0x72: {  	v62 =	vmul.f32 v15, v16;
	v15 =	vld [tilespmem:s11+$0x8120]  }
0x73: {  	v21 =	vadd.f32 v27, v21;
	v27 =	vld [tilespmem:s11+$0x20]  }
0x74: {  	v24 =	vmul.f32 v25, v24;
	v25 =	vadd.f32 v31, v49;
	v31 =	vmul.f32 v35, v34;
	v34 =	vld [tilespmem:s11+$0x8020]  }
0x75: {  	v49 =	vld [tilespmem:s11+$0x8080]  }
0x76: {  	v20 =	vadd.f32 v20, v22;
	v22 =	vmul.f32 v59, v58;
	v58 =	vld [tilespmem:s11+$0x40]  }
0x77: {  	v59 =	vld [tilespmem:s11+$0x8040]  }
0x78: {  	v35 =	vld [tilespmem:s11+$0x8070]  }
0x79: {  	v4 =	vmul.f32 v33, v4;
	v42 =	vadd.f32 $0.0e+00, v22;
	v22 =	vld [tilespmem:s11+$0x90]  }
0x7a: {  	v21 =	vadd.f32 v24, v21;
	v24 =	vadd.f32 v31, v25;
	v25 =	vmul.f32 v29, v28;
	v28 =	vld [tilespmem:s11+$0xC0]  }
0x7b: {  	v7 =	vmul.f32 v7, v8;
	v4 =	vadd.f32 $0.0e+00, v4;
	v31 =	vld [tilespmem:s11+$0x80C0]  }
0x7c: {  	v0 =	vmul.f32 v0, v3;
	v29 =	vmul.f32 v57, v56;
	v56 =	vld [tilespmem:s11+$0x8010]  }
0x7d: {  	v53 =	vmul.f32 v9, v10;
	v4 =	vadd.f32 v7, v4;
	v57 =	vmul.f32 v55, v54;
	v54 =	vld [tilespmem:$0x1FDD0]  }
0x7e: {  	v0 =	vadd.f32 $0.0e+00, v0;
	v55 =	vld [tilespmem:s11+$0x82A0]  }
0x7f: {  	v4 =	vadd.f32 v53, v4;
	v53 =	vld [tilespmem:$0x1FDC0]  }
0x80: {  	v0 =	vadd.f32 v29, v0;
	v29 =	vmul.f32 v51, v50;
	v50 =	vld [tilespmem:s11+$0x10]  }
0x81: {  	v51 =	vld [tilespmem:s11+$0x8000]  }
0x82: {  	v24 =	vadd.f32 v25, v24;
	v25 =	vmul.f32 v39, v38;
	v38 =	vld [tilespmem:s11+$0x130]  }
0x83: {  	v3 =	vadd.f32 v41, v42;
	v41 =	vld [tilespmem:s11+$0x8130]  }
0x84: {  	v42 =	vmul.f32 v32, v17;
	v32 =	vld [tilespmem:$0x1FE10]  }
0x85: {  	v17 =	vld [tilespmem:$0x1FEA0]  }
0x86: {  	v5 =	vmul.f32 v5, v6;
	v6 =	vmul.f32 v49, v48;
	v49 =	vld [tilespmem:$0x1FDB0]  }
0x87: {  	v1 =	vmul.f32 v1, v2;
	v7 =	vmul.f32 v59, v58;
	v58 =	vld [tilespmem:$0x1FDE0];
	v3 =	vadd.f32 v46, v3  }
0x88: {  	v59 =	vld [tilespmem:$0x1FDF0]  }
0x89: {  	v33 =	vmul.f32 v13, v14;
	v1 =	vadd.f32 $0.0e+00, v1;
	v3 =	vadd.f32 v25, v3;
	v25 =	vld [tilespmem:s11+$0x0]  }
0x8a: {  	v13 =	vmul.f32 v34, v27;
	v34 =	vld [tilespmem:$0x1FE40];
	v0 =	vadd.f32 v29, v0;
	v29 =	vmul.f32 v45, v44  }
0x8b: {  	v1 =	vadd.f32 v5, v1;
	v26 =	vmul.f32 v26, v37;
	v28 =	vmul.f32 v31, v28;
	v31 =	vld [tilespmem:s11+$0x50]  }
0x8c: {  	v6 =	vadd.f32 $0.0e+00, v6;
	v2 =	vmul.f32 v47, v22;
	v22 =	vld [tilespmem:s11+$0x8050];
	v0 =	vadd.f32 v29, v0  }
0x8d: {  	v29 =	vmul.f32 v61, v60;
	v61 =	vmul.f32 v23, v43;
	v23 =	vld [tilespmem:s11+$0x8060];
	v28 =	vadd.f32 $0.0e+00, v28  }
0x8e: {  	(xrf2) =	vadd.scan.msk.f32 $0xffff, v20;
	v1 =	vadd.f32 v52, v1;
	v45 =	vld [tilespmem:$0x1FD90];
	v8 =	vmul.f32 v51, v25  }
0x8f: {  	v37 =	vmul.f32 v40, v30;
	(xrf2) =	vadd.scan.msk.f32 $0xffff, v21;
	v46 =	vld [tilespmem:$0x1FDA0];
	v2 =	vadd.f32 v2, v6;
	v60 =	vadd.f32 v26, v28  }
0x90: {  	(xrf2) =	vadd.scan.msk.f32 $0xffff, v24;
	v7 =	vadd.f32 $0.0e+00, v7;
	v47 =	vld [tilespmem:s11+$0x1F0];
	v9 =	vmul.f32 v56, v50;
	v8 =	vadd.f32 $0.0e+00, v8  }
0x91: {  	v50 =	vld [tilespmem:s11+$0x81F0];
	(xrf2) =	vadd.scan.msk.f32 $0xffff, v3;
	v3 =	vmul.f32 v15, v49;
	v2 =	vadd.f32 v61, v2;
	v5 =	vadd.f32 v11, v60  }
0x92: {  	v15 =	vld [tilespmem:$0x1FE70];
	v14 =	vmul.f32 v22, v31;
	v40 =	vmul.f32 v23, v12;
	v8 =	vadd.f32 v9, v8  }
0x93: {  	v61 =	vld [tilespmem:$0x1FE00];
	v12 =	vmul.f32 v18, v19;
	v36 =	vadd.f32 v62, v5;
	v5 =	vadd.f32 $0.0e+00, v37  }
0x94: {  	v1 =	vadd.f32 v57, v1;
	v39 =	vadd.f32 v13, v8;
	v13 =	vld [tilespmem:s11+$0x81E0]  }
0x95: {  	v7 =	vadd.f32 v14, v7;
	v48 =	vadd.f32 v12, v5;
	v12 =	vld [tilespmem:$0x1FE20];
	v8 =	vmul.f32 v46, v45  }
0x96: {  	v44 =	vmul.f32 v35, v63;
	v4 =	vadd.f32 v29, v4;
	v2 =	vadd.f32 v33, v2;
	v33 =	vld [tilespmem:$0x1FE30]  }
0x97: {  	(xrf2) =	vadd.scan.msk.f32 $0xffff, v0;
	v60 =	vld [tilespmem:s11+$0x2B0];
	v43 =	vadd.f32 v40, v7;
	v7 =	vmul.f32 v54, v53;
	v52 =	vadd.f32 $0.0e+00, v8  }
0x98: {  	(xrf2) =	vadd.scan.msk.f32 $0xffff, v1;
	v40 =	vld [tilespmem:$0x1FE60];
	v56 =	vadd.f32 v3, v48;
	v3 =	vmul.f32 v59, v58  }
0x99: {  	(xrf2) =	vadd.scan.msk.f32 $0xffff, v4;
	v51 =	vadd.f32 v44, v43;
	v44 =	vld [tilespmem:$0x1FE80];
	v4 =	vadd.f32 v7, v52;
	v7 =	vmul.f32 v13, v61  }
0x9a: {  	v63 =	vadd.f32 $0.0e+00, v3;
	v3 =	vmul.f32 v12, v32;
	v12 =	vld [tilespmem:s11+$0x8360]  }
0x9b: {  	v18 =	vld [tilespmem:$0x1FEC0];
	(xrf2) =	vadd.scan.msk.f32 $0xffff, v36;
	v0 =	vadd.f32 v42, v39;
	v4 =	vadd.f32 v7, v4;
	v7 =	vmul.f32 v34, v33  }
0x9c: {  	v57 =	vmul.f32 v41, v38;
	v36 =	vld [tilespmem:$0x1FE50];
	(xrf2) =	vadd.scan.msk.f32 $0xffff, v2  }
0x9d: {  	v62 =	vld [tilespmem:s11+$0x82B0];
	v5 =	vmul.f32 v50, v47;
	(xrf2) =	vadd.scan.msk.f32 $0xffff, v0;
	v39 =	vadd.f32 $0.0e+00, v7;
	v7 =	vmul.f32 v15, v40  }
0x9e: {  	v10, _, _ =	vpop (xrf2);
	v46 =	vld [tilespmem:$0x1FEB0];
	v0 =	vadd.f32 v57, v56;
	(xrf2) =	vadd.scan.msk.f32 $0xffff, v51  }
0x9f: {  	v2, _, _ =	vpop (xrf2);
	v4 =	vadd.f32 v5, v4;
	v5 =	vadd.f32 v7, v39;
	v7 =	vmul.f32 v12, v44;
	v12 =	vld [tilespmem:$0x1FE90]  }
0xa0: {  	v35 =	vld [tilespmem:s11+$0x370];
	v13, _, _ =	vpop (xrf2)  }
0xa1: {  	v37 =	vld [tilespmem:s11+$0x8370];
	v1 =	vadd.f32 v3, v63;
	v3 =	vmul.f32 v55, v36;
	v14, _, _ =	vpop (xrf2);
	(xrf2) =	vadd.scan.msk.f32 $0xffff, v0  }
0xa2: {  	v42 =	vld [tilespmem:s11+$0x83E0];
	v38, _, _ =	vpop (xrf2)  }
0xa3: {  	v41 =	vmul.f32 v62, v60;
	v1 =	vadd.f32 v3, v1;
	v16, _, _ =	vpop (xrf2);
	v15 =	vld [tilespmem:s11+$0x3E0]  }
0xa4: {  	v3 =	vmul.f32 v18, v46;
	v18 =	vld [tilespmem:s11+$0x83F0];
	v43, _, _ =	vpop (xrf2);
	(xrf2) =	vadd.scan.msk.f32 $0xffff, v4;
	v12 =	vmul.f32 v17, v12  }
0xa5: {  	v1 =	vadd.f32 v41, v1;
	v45, _, _ =	vpop (xrf2);
	v17 =	vld [tilespmem:s11+$0x3F0]  }
0xa6: {  	v47 =	vmul.f32 v37, v35;
	v19, _, _ =	vpop (xrf2);
	v5 =	vadd.f32 v7, v5;
	v48 =	vadd.f32 $0.0e+00, v12  }
0xa7: {  	(xrf2) =	vadd.scan.msk.f32 $0xffff, v1;
	v49, _, _ =	vpop (xrf2)  }
0xa8: {  	v51 =	vmul.f32 v42, v15;
	v50 =	vadd.f32 v47, v5;
	v52, _, _ =	vpop (xrf2);
	v3 =	vadd.f32 v3, v48  }
0xa9: {  	v53 =	vbroadcast v49, $0xF;
	v6 =	vbroadcast v52, $0xF  }
0xaa: {  	v54 =	vbroadcast v19, $0xF;
	(xrf2) =	vadd.scan.msk.f32 $0xffff, v50;
	v55 =	vmul.f32 v18, v17;
	v3 =	vadd.f32 v51, v3  }
0xab: {  	v4 =	vbroadcast v45, $0xF;
	v57, _, _ =	vpop (xrf2);
	v56 =	vsel vm0, v53, v6  }
0xac: {  	v6 =	vbroadcast v57, $0xF;
	v1 =	vsel vm1, v56, v54;
	v3 =	vadd.f32 v55, v3  }
0xad: {  	v58 =	vbroadcast v43, $0xF;
	v1 =	vsel vm2, v1, v4  }
0xae: {  	v59 =	vbroadcast v16, $0xF;
	v1 =	vsel vm3, v1, v6;
	v60, _, _ =	vpop (xrf2);
	(xrf2) =	vadd.scan.msk.f32 $0xffff, v3  }
0xaf: {  	v1 =	vsel vm4, v1, v58;
	v61 =	vbroadcast v60, $0xF  }
0xb0: {  	v0 =	vbroadcast v38, $0xF;
	v1 =	vsel vm5, v1, v59  }
0xb1: {  	v62 =	vbroadcast v14, $0xF;
	v63, _, _ =	vpop (xrf2);
	v1 =	vsel vm6, v1, v61  }
0xb2: {  	v6 =	vbroadcast v63, $0xF;
	v0 =	vsel vm7, v1, v0  }
0xb3: {  	v7 =	vbroadcast v13, $0xF;
	v0 =	vsel vm8, v0, v62  }
0xb4: {  	v8 =	vbroadcast v2, $0xF;
	v0 =	vsel vm9, v0, v6;
	v9, _, _ =	vpop (xrf2)  }
0xb5: {  	v0 =	vsel vm10, v0, v7;
	v2 =	vbroadcast v9, $0xF  }
0xb6: {  	v11 =	vbroadcast v10, $0xF;
	v0 =	vsel vm11, v0, v8  }
0xb7: {  	v0 =	vsel vm12, v0, v2  }
0xb8: {  	v0 =	vsel vm13, v0, v11;
	v32, _, _ =	vpop (xrf2)  }
0xb9: {  	v0 =	vsel vm14, v0, v32  }
0xba: {  	s11 =	simm.s32 $0x400;
	[tilespmem:s9+$0x0] =	vst v0  }
0xbb: {  	v22 =	vld [tilespmem:s11+$0x3B0]  }
0xbc: {  	v53 =	vld [tilespmem:s11+$0x83B0]  }
0xbd: {  	v17 =	vld [tilespmem:s11+$0x3D0]  }
0xbe: {  	v0 =	vld [tilespmem:s11+$0x83D0]  }
0xbf: {  	v3 =	vld [tilespmem:s11+$0x3A0]  }
0xc0: {  	v29 =	vld [tilespmem:s11+$0x83A0]  }
0xc1: {  	v33 =	vld [tilespmem:s11+$0x3C0]  }
0xc2: {  	v34 =	vld [tilespmem:s11+$0x83C0]  }
0xc3: {  	v21 =	vld [tilespmem:s11+$0x330]  }
0xc4: {  	v24 =	vld [tilespmem:s11+$0x8330]  }
0xc5: {  	v35 =	vld [tilespmem:s11+$0x360]  }
0xc6: {  	v27 =	vld [tilespmem:s11+$0x390]  }
0xc7: {  	v8 =	vld [tilespmem:s11+$0x2F0]  }
0xc8: {  	v10 =	vld [tilespmem:s11+$0x82F0]  }
0xc9: {  	v52 =	vld [tilespmem:s11+$0x320]  }
0xca: {  	v37 =	vld [tilespmem:s11+$0x8320]  }
0xcb: {  	v36 =	vld [tilespmem:s11+$0x350]  }
0xcc: {  	v38 =	vld [tilespmem:s11+$0x8350]  }
0xcd: {  	v23 =	vld [tilespmem:s11+$0x380]  }
0xce: {  	v39 =	vld [tilespmem:s11+$0x2E0]  }
0xcf: {  	v61 =	vld [tilespmem:s11+$0x82E0]  }
0xd0: {  	v43 =	vld [tilespmem:s11+$0x310]  }
0xd1: {  	v44 =	vld [tilespmem:s11+$0x8310]  }
0xd2: {  	v40 =	vld [tilespmem:s11+$0x340]  }
0xd3: {  	v41 =	vld [tilespmem:s11+$0x8340]  }
0xd4: {  	v6 =	vld [tilespmem:s11+$0x270]  }
0xd5: {  	v7 =	vld [tilespmem:s11+$0x8270]  }
0xd6: {  	v42 =	vld [tilespmem:s11+$0x2A0]  }
0xd7: {  	v32 =	vld [tilespmem:s11+$0x2D0]  }
0xd8: {  	v48 =	vld [tilespmem:s11+$0x82D0]  }
0xd9: {  	v49 =	vld [tilespmem:s11+$0x300]  }
0xda: {  	v50 =	vld [tilespmem:s11+$0x8300]  }
0xdb: {  	v9 =	vld [tilespmem:s11+$0x230]  }
0xdc: {  	v11 =	vld [tilespmem:s11+$0x8230]  }
0xdd: {  	v45 =	vld [tilespmem:s11+$0x260]  }
0xde: {  	v62 =	vld [tilespmem:s11+$0x8260]  }
0xdf: {  	v46 =	vld [tilespmem:s11+$0x290]  }
0xe0: {  	v47 =	vld [tilespmem:s11+$0x8290]  }
0xe1: {  	v55 =	vld [tilespmem:s11+$0x2C0]  }
0xe2: {  	v56 =	vld [tilespmem:s11+$0x82C0]  }
0xe3: {  	v51 =	vld [tilespmem:s11+$0x220]  }
0xe4: {  	v58 =	vld [tilespmem:s11+$0x8220]  }
0xe5: {  	v59 =	vld [tilespmem:s11+$0x250]  }
0xe6: {  	v60 =	vld [tilespmem:s11+$0x8250]  }
0xe7: {  	v54 =	vld [tilespmem:s11+$0x280]  }
0xe8: {  	v57 =	vld [tilespmem:s11+$0x8280]  }
0xe9: {  	v12 =	vld [tilespmem:s11+$0x1B0]  }
0xea: {  	v13 =	vld [tilespmem:s11+$0x81B0]  }
0xeb: {  	v63 =	vld [tilespmem:s11+$0x1E0]  }
0xec: {  	v4 =	vld [tilespmem:s11+$0x170]  }
0xed: {  	v5 =	vld [tilespmem:s11+$0x8170]  }
0xee: {  	v2 =	vld [tilespmem:s11+$0x81A0]  }
0xef: {  	v15 =	vld [tilespmem:s11+$0x1D0]  }
0xf0: {  	v16 =	vld [tilespmem:s11+$0x81D0]  }
0xf1: {  	v1 =	vld [tilespmem:s11+$0x200]  }
0xf2: {  	v14 =	vld [tilespmem:s11+$0x160]  }
0xf3: {  	v18 =	vld [tilespmem:s11+$0x1C0]  }
0xf4: {  	v19 =	vld [tilespmem:s11+$0x81C0]  }
0xf5: {  	v26 =	vld [tilespmem:s11+$0x80F0]  }
0xf6: {  	v20 =	vld [tilespmem:s11+$0x120]  }
0xf7: {  	v25 =	vld [tilespmem:s11+$0xB0]  }
0xf8: {  	v28 =	vld [tilespmem:s11+$0x80B0]  }
0xf9: {  	v30 =	vld [tilespmem:s11+$0xE0]  }
0xfa: {  	v31 =	vld [tilespmem:s11+$0x80E0]  }
0xfb: {  	[tilespmem:$0x1FEF0] =	vst v34;
	v34 =	vld [tilespmem:s11+$0x8390]  }
0xfc: {  	[tilespmem:$0x1FF00] =	vst v35;
	v35 =	vld [tilespmem:s11+$0x8380]  }
0xfd: {  	[tilespmem:$0x1FFA0] =	vst v63;
	v63 =	vld [tilespmem:s11+$0x210]  }
0xfe: {  	[tilespmem:$0x1FF60] =	vst v46;
	v46 =	vld [tilespmem:s11+$0x8210]  }
0xff: {  	[tilespmem:$0x1FF10] =	vst v36;
	v36 =	vld [tilespmem:s11+$0x240]  }
0x100: {  	[tilespmem:$0x1FEE0] =	vst v33;
	v33 =	vld [tilespmem:s11+$0x8240]  }
0x101: {  	[tilespmem:$0x1FF90] =	vst v57;
	v57 =	vld [tilespmem:s11+$0x1A0]  }
0x102: {  	[tilespmem:$0x1FED0] =	vst v0;
	v0 =	vld [tilespmem:s11+$0x8200]  }
0x103: {  	[tilespmem:$0x1FFE0] =	vst v14;
	v14 =	vld [tilespmem:s11+$0x8160]  }
0x104: {  	[tilespmem:$0x1FFC0] =	vst v45;
	v45 =	vld [tilespmem:s11+$0x190]  }
0x105: {  	[tilespmem:$0x1FF50] =	vst v42;
	v42 =	vld [tilespmem:s11+$0x8190]  }
0x106: {  	[tilespmem:$0x1FF80] =	vst v54;
	v54 =	vld [tilespmem:s11+$0xF0]  }
0x107: {  	[tilespmem:$0x1FFD0] =	vst v51;
	v51 =	vld [tilespmem:s11+$0x150]  }
0x108: {  	[tilespmem:$0x1FF70] =	vst v47;
	v47 =	vld [tilespmem:s11+$0x8150]  }
0x109: {  	[tilespmem:$0x1FF30] =	vst v40;
	v40 =	vld [tilespmem:s11+$0x180]  }
0x10a: {  	[tilespmem:$0x1FF20] =	vst v38;
	v38 =	vld [tilespmem:s11+$0x8180]  }
0x10b: {  	[tilespmem:$0x1FF40] =	vst v41;
	v41 =	vld [tilespmem:s11+$0x140]  }
0x10c: {  	[tilespmem:$0x1FFB0] =	vst v39;
	v39 =	vld [tilespmem:s11+$0x8140];
	v49 =	vmul.f32 v50, v49  }
0x10d: {  	v3 =	vmul.f32 v29, v3;
	v29 =	vld [tilespmem:s11+$0x8030];
	v43 =	vmul.f32 v44, v43  }
0x10e: {  	v55 =	vmul.f32 v56, v55;
	v37 =	vmul.f32 v37, v52;
	v52 =	vld [tilespmem:s11+$0x80D0]  }
0x10f: {  	v56 =	vmul.f32 v53, v22;
	v48 =	vmul.f32 v48, v32;
	v32 =	vld [tilespmem:s11+$0x100];
	v44 =	vadd.f32 $0.0e+00, v49  }
0x110: {  	v53 =	vmul.f32 v24, v21;
	v21 =	vld [tilespmem:$0x1FFB0];
	v49 =	vadd.f32 $0.0e+00, v55;
	v35 =	vmul.f32 v35, v23  }
0x111: {  	v43 =	vadd.f32 v43, v44;
	v44 =	vld [tilespmem:s11+$0xD0]  }
0x112: {  	v48 =	vadd.f32 v48, v49;
	v49 =	vld [tilespmem:$0x1FFC0];
	v34 =	vmul.f32 v34, v27;
	v35 =	vadd.f32 $0.0e+00, v35  }
0x113: {  	[tilespmem:$0x1FFF0] =	vst v14;
	v14 =	vld [tilespmem:s11+$0x110]  }
0x114: {  	v23 =	vld [tilespmem:s11+$0x8110];
	v35 =	vadd.f32 v34, v35  }
0x115: {  	v27 =	vld [tilespmem:s11+$0x30]  }
0x116: {  	v60 =	vmul.f32 v60, v59;
	v55 =	vmul.f32 v33, v36;
	v33 =	vld [tilespmem:s11+$0x8100];
	v50 =	vadd.f32 v3, v35  }
0x117: {  	v8 =	vmul.f32 v10, v8;
	v36 =	vld [tilespmem:s11+$0x20];
	v10 =	vmul.f32 v46, v63  }
0x118: {  	v46 =	vld [tilespmem:s11+$0x90];
	v50 =	vadd.f32 v56, v50;
	v56 =	vmul.f32 v61, v21;
	v61 =	vadd.f32 $0.0e+00, v55  }
0x119: {  	v63 =	vld [tilespmem:s11+$0x80C0]  }
0x11a: {  	v0 =	vmul.f32 v0, v1;
	v37 =	vadd.f32 v37, v43;
	v1 =	vadd.f32 v60, v61;
	v61 =	vld [tilespmem:$0x1FFD0]  }
0x11b: {  	v55 =	vld [tilespmem:s11+$0xC0]  }
0x11c: {  	v42 =	vmul.f32 v42, v45;
	v45 =	vld [tilespmem:s11+$0x80];
	v41 =	vmul.f32 v39, v41;
	v43 =	vadd.f32 v53, v37  }
0x11d: {  	v39 =	vld [tilespmem:s11+$0x8090];
	v0 =	vadd.f32 $0.0e+00, v0;
	(xrf2) =	vadd.scan.msk.f32 $0xffff, v50  }
0x11e: {  	v38 =	vmul.f32 v38, v40;
	v2 =	vmul.f32 v2, v57;
	v57 =	vadd.f32 $0.0e+00, v41;
	v41 =	vld [tilespmem:s11+$0x8000];
	(xrf2) =	vadd.scan.msk.f32 $0xffff, v43  }
0x11f: {  	v37 =	vld [tilespmem:s11+$0x8020];
	v53 =	vmul.f32 v62, v49;
	v0 =	vadd.f32 v10, v0;
	v62 =	vmul.f32 v58, v61  }
0x120: {  	v38 =	vadd.f32 $0.0e+00, v38;
	v61 =	vmul.f32 v63, v55;
	v63 =	vld [tilespmem:$0x1FFF0]  }
0x121: {  	v48 =	vadd.f32 v56, v48;
	v0 =	vadd.f32 v62, v0;
	v62 =	vld [tilespmem:$0x1FFE0]  }
0x122: {  	v47 =	vmul.f32 v47, v51;
	v10 =	vld [tilespmem:s11+$0x8080];
	v42 =	vadd.f32 v42, v38  }
0x123: {  	v34 =	vld [tilespmem:s11+$0xA0];
	v48 =	vadd.f32 v8, v48;
	v1 =	vadd.f32 v53, v1;
	v8 =	vmul.f32 v7, v6  }
0x124: {  	v38 =	vld [tilespmem:s11+$0x10];
	v49 =	vadd.f32 v47, v57;
	v56 =	vmul.f32 v11, v9  }
0x125: {  	v47 =	vld [tilespmem:s11+$0x0];
	v59 =	vadd.f32 v2, v42;
	v60 =	vmul.f32 v13, v12;
	v1 =	vadd.f32 v8, v1  }
0x126: {  	v35 =	vld [tilespmem:s11+$0x80A0];
	(xrf2) =	vadd.scan.msk.f32 $0xffff, v48;
	v58 =	vadd.f32 v56, v0;
	v3 =	vmul.f32 v63, v62  }
0x127: {  	v50 =	vmul.f32 v10, v45;
	v45 =	vld [tilespmem:s11+$0x40];
	v40 =	vadd.f32 v60, v59;
	v48 =	vmul.f32 v52, v44;
	(xrf2) =	vadd.scan.msk.f32 $0xffff, v1;
	v52, _, _ =	vpop (xrf2)  }
0x128: {  	s13 =	simm.s32 $0x2000;
	s12 =	simm.s32 $0x10000;
	v42 =	vmul.f32 v5, v4;
	v44 =	vld [tilespmem:s11+$0x8010];
	v51 =	vadd.f32 $0.0e+00, v61;
	(xrf2) =	vadd.scan.msk.f32 $0xffff, v58;
	v21, _, _ =	vpop (xrf2);
	v49 =	vadd.f32 v3, v49  }
.LBB2_2:
0x129: {  	v43 =	vld [tilespmem:s11+$0x8040]  }
0x12a: {  	v55 =	vld [tilespmem:s11+$0x50]  }
0x12b: {  	v56 =	vld [tilespmem:s11+$0x8050]  }
0x12c: {  	v58 =	vld [tilespmem:s11+$0x8060]  }
0x12d: {  	v60 =	vld [tilespmem:s11+$0x70]  }
0x12e: {  	v62 =	vld [tilespmem:s11+$0x8070]  }
0x12f: {  	v4 =	vld [tilespmem:s11+$0x8120]  }
0x130: {  	v6 =	vld [tilespmem:s11+$0x130]  }
0x131: {  	v7 =	vld [tilespmem:s11+$0x8130]  }
0x132: {  	v15 =	vmul.f32 v16, v15;
	v16 =	vld [tilespmem:s11+$0x82A0]  }
0x133: {  	v9 =	vld [tilespmem:$0x1FF80]  }
0x134: {  	v10 =	vld [tilespmem:$0x1FF90]  }
0x135: {  	v13 =	vld [tilespmem:s11+$0x2B0]  }
0x136: {  	v11 =	vld [tilespmem:$0x1FFA0];
	v31 =	vmul.f32 v31, v30  }
0x137: {  	v48 =	vadd.f32 v48, v51;
	(xrf2) =	vadd.scan.msk.f32 $0xffff, v40;
	v40 =	vld [tilespmem:$0x1FF20];
	v39 =	vmul.f32 v39, v46;
	v41 =	vmul.f32 v41, v47  }
0x138: {  	v50 =	vadd.f32 $0.0e+00, v50;
	v0 =	vmul.f32 v26, v54;
	v26 =	vld [tilespmem:s11+$0x60];
	v34 =	vmul.f32 v35, v34  }
0x139: {  	v42 =	vadd.f32 v42, v49;
	v1 =	vmul.f32 v44, v38;
	v22 =	vmul.f32 v23, v14;
	v23 =	vld [tilespmem:s11+$0x81E0]  }
0x13a: {  	v27 =	vmul.f32 v29, v27;
	v18 =	vmul.f32 v19, v18;
	v19 =	vld [tilespmem:s11+$0x1F0];
	v31 =	vadd.f32 v31, v48  }
0x13b: {  	v29 =	vmul.f32 v33, v32;
	v32 =	vld [tilespmem:$0x1FF60];
	v39 =	vadd.f32 v39, v50;
	v57 =	vadd.f32 $0.0e+00, v41  }
0x13c: {  	v25 =	vmul.f32 v28, v25;
	v33 =	vld [tilespmem:$0x1FF70];
	v30, _, _ =	vpop (xrf2);
	(xrf2) =	vadd.scan.msk.f32 $0xffff, v42;
	v59 =	vmul.f32 v43, v45;
	v31 =	vadd.f32 v0, v31  }
0x13d: {  	v61 =	vmul.f32 v37, v36;
	v35 =	vld [tilespmem:$0x1FF30];
	v34 =	vadd.f32 v34, v39;
	v28 =	vadd.f32 v1, v57  }
0x13e: {  	v36 =	vld [tilespmem:$0x1FF40];
	v63 =	vmul.f32 v56, v55;
	v24, _, _ =	vpop (xrf2);
	(xrf2) =	vadd.scan.msk.f32 $0xffff, v31;
	v31 =	vadd.f32 $0.0e+00, v59  }
0x13f: {  	v37 =	vld [tilespmem:$0x1FF50];
	v25 =	vadd.f32 v25, v34;
	v5 =	vadd.f32 v61, v28  }
0x140: {  	v44 =	vld [tilespmem:$0x1FEF0];
	v26 =	vmul.f32 v58, v26;
	v31 =	vadd.f32 v63, v31  }
0x141: {  	v47 =	vld [tilespmem:$0x1FED0];
	v38, _, _ =	vpop (xrf2);
	(xrf2) =	vadd.scan.msk.f32 $0xffff, v25;
	v25 =	vadd.f32 v27, v5;
	v27 =	vadd.f32 $0.0e+00, v29  }
0x142: {  	v42 =	vld [tilespmem:$0x1FF00];
	v29 =	vmul.f32 v62, v60;
	v8 =	vadd.f32 v26, v31  }
0x143: {  	v20 =	vmul.f32 v4, v20;
	v12 =	vmul.f32 v10, v9;
	v22 =	vadd.f32 v22, v27;
	v27 =	vld [tilespmem:s11+$0x81F0]  }
0x144: {  	v43 =	vld [tilespmem:$0x1FEE0];
	v18 =	vadd.f32 $0.0e+00, v18;
	v28, _, _ =	vpop (xrf2);
	(xrf2) =	vadd.scan.msk.f32 $0xffff, v25;
	v25 =	vadd.f32 v29, v8  }
0x145: {  	v2 =	vmul.f32 v7, v6;
	v12 =	vadd.f32 $0.0e+00, v12;
	v39 =	vld [tilespmem:$0x1FF10];
	v20 =	vadd.f32 v20, v22  }
0x146: {  	v15 =	vadd.f32 v15, v18;
	v18 =	vld [tilespmem:s11+$0x82B0];
	v14 =	vmul.f32 v23, v11;
	v10 =	vmul.f32 v33, v32;
	v26, _, _ =	vpop (xrf2);
	(xrf2) =	vadd.scan.msk.f32 $0xffff, v25  }
0x147: {  	v11 =	vld [tilespmem:s11+$0x8360];
	v7 =	vmul.f32 v36, v35;
	v20 =	vadd.f32 v2, v20  }
0x148: {  	v14 =	vadd.f32 v14, v15;
	v10 =	vadd.f32 v10, v12;
	v12 =	vld [tilespmem:s11+$0x8370];
	v34 =	vmul.f32 v27, v19  }
0x149: {  	v9 =	vmul.f32 v16, v37;
	v8 =	vld [tilespmem:s11+$0x370];
	v22, _, _ =	vpop (xrf2);
	(xrf2) =	vadd.scan.msk.f32 $0xffff, v20  }
0x14a: {  	v6 =	vld [tilespmem:s11+$0x3E0];
	v7 =	vadd.f32 $0.0e+00, v7;
	v5 =	vmul.f32 v40, v39;
	v14 =	vadd.f32 v34, v14  }
0x14b: {  	v16 =	vadd.f32 v9, v10;
	v41 =	vmul.f32 v18, v13;
	v13 =	vld [tilespmem:s11+$0x83E0]  }
0x14c: {  	v3 =	vld [tilespmem:s11+$0x3F0];
	v45 =	vmul.f32 v44, v43;
	v4 =	vmul.f32 v11, v42;
	v5 =	vadd.f32 v5, v7;
	v15, _, _ =	vpop (xrf2);
	(xrf2) =	vadd.scan.msk.f32 $0xffff, v14  }
0x14d: {  	v48 =	vld [tilespmem:s11+$0x83F0];
	v0 =	vmul.f32 v47, v17;
	v46 =	vadd.f32 v41, v16  }
0x14e: {  	v4 =	vadd.f32 v4, v5;
	v2 =	vadd.f32 $0.0e+00, v45;
	v8 =	vmul.f32 v12, v8  }
0x14f: {  	v49, _, _ =	vpop (xrf2);
	(xrf2) =	vadd.scan.msk.f32 $0xffff, v46  }
0x150: {  	v50 =	vmul.f32 v13, v6;
	v0 =	vadd.f32 v0, v2;
	v8 =	vadd.f32 v8, v4;
	v51, _, _ =	vpop (xrf2)  }
0x151: {  	v53 =	vbroadcast v49, $0xF;
	v5 =	vbroadcast v51, $0xF  }
0x152: {  	v1 =	vmul.f32 v48, v3;
	v0 =	vadd.f32 v50, v0;
	v54 =	vbroadcast v15, $0xF;
	(xrf2) =	vadd.scan.msk.f32 $0xffff, v8  }
0x153: {  	v56 =	vbroadcast v22, $0xF;
	v57, _, _ =	vpop (xrf2);
	v55 =	vsel vm0, v53, v5  }
0x154: {  	v0 =	vadd.f32 v1, v0;
	v58 =	vbroadcast v57, $0xF;
	v2 =	vsel vm1, v55, v54  }
0x155: {  	v60 =	vbroadcast v26, $0xF;
	v59 =	vsel vm2, v2, v56  }
0x156: {  	v61 =	vbroadcast v28, $0xF;
	v62, _, _ =	vpop (xrf2);
	(xrf2) =	vadd.scan.msk.f32 $0xffff, v0;
	v1 =	vsel vm3, v59, v58  }
0x157: {  	v6 =	vbroadcast v62, $0xF;
	v63 =	vsel vm4, v1, v60  }
0x158: {  	v7 =	vbroadcast v38, $0xF;
	v0 =	vsel vm5, v63, v61  }
0x159: {  	v8 =	vbroadcast v24, $0xF;
	v9, _, _ =	vpop (xrf2);
	v0 =	vsel vm6, v0, v6  }
0x15a: {  	v10 =	vbroadcast v9, $0xF;
	v0 =	vsel vm7, v0, v7  }
0x15b: {  	v11 =	vbroadcast v30, $0xF;
	v0 =	vsel vm8, v0, v8  }
0x15c: {  	v32 =	vbroadcast v21, $0xF;
	v33, _, _ =	vpop (xrf2);
	v0 =	vsel vm9, v0, v10  }
0x15d: {  	v3 =	vbroadcast v33, $0xF;
	v0 =	vsel vm10, v0, v11  }
0x15e: {  	v34 =	vbroadcast v52, $0xF;
	v0 =	vsel vm11, v0, v32  }
0x15f: {  	v0 =	vsel vm12, v0, v3  }
0x160: {  	v35, _, _ =	vpop (xrf2);
	v0 =	vsel vm13, v0, v34  }
0x161: {  	s12 =	sadd.s32 $0x10, s12;
	v0 =	vsel vm14, v0, v35  }
0x162: {  	s11 =	sshra.s32 s13, $0x2;
	[tilespmem:s12+$0x0] =	vst v0  }
0x163: {  	v32 =	vld [tilespmem:s11+$0x3B0]  }
0x164: {  	v35 =	vld [tilespmem:s11+$0x83B0]  }
0x165: {  	v0 =	vld [tilespmem:s11+$0x3D0]  }
0x166: {  	v36 =	vld [tilespmem:s11+$0x83D0]  }
0x167: {  	v29 =	vld [tilespmem:s11+$0x3A0]  }
0x168: {  	v34 =	vld [tilespmem:s11+$0x83A0]  }
0x169: {  	v37 =	vld [tilespmem:s11+$0x3C0]  }
0x16a: {  	v38 =	vld [tilespmem:s11+$0x83C0]  }
0x16b: {  	v33 =	vld [tilespmem:s11+$0x330]  }
0x16c: {  	v39 =	vld [tilespmem:s11+$0x360]  }
0x16d: {  	v27 =	vld [tilespmem:s11+$0x390]  }
0x16e: {  	v52 =	vld [tilespmem:s11+$0x8390]  }
0x16f: {  	v40 =	vld [tilespmem:s11+$0x2F0]  }
0x170: {  	v41 =	vld [tilespmem:s11+$0x82F0]  }
0x171: {  	v47 =	vld [tilespmem:s11+$0x320]  }
0x172: {  	v48 =	vld [tilespmem:s11+$0x8320]  }
0x173: {  	v42 =	vld [tilespmem:s11+$0x350]  }
0x174: {  	v43 =	vld [tilespmem:s11+$0x8350]  }
0x175: {  	v23 =	vld [tilespmem:s11+$0x380]  }
0x176: {  	v62 =	vld [tilespmem:s11+$0x8380]  }
0x177: {  	v46 =	vld [tilespmem:s11+$0x82E0]  }
0x178: {  	v57 =	vld [tilespmem:s11+$0x310]  }
0x179: {  	v60 =	vld [tilespmem:s11+$0x8310]  }
0x17a: {  	v44 =	vld [tilespmem:s11+$0x340]  }
0x17b: {  	v45 =	vld [tilespmem:s11+$0x8340]  }
0x17c: {  	v49 =	vld [tilespmem:s11+$0x2A0]  }
0x17d: {  	v58 =	vld [tilespmem:s11+$0x2D0]  }
0x17e: {  	v61 =	vld [tilespmem:s11+$0x82D0]  }
0x17f: {  	v63 =	vld [tilespmem:s11+$0x300]  }
0x180: {  	v50 =	vld [tilespmem:s11+$0x230]  }
0x181: {  	v51 =	vld [tilespmem:s11+$0x8230]  }
0x182: {  	v53 =	vld [tilespmem:s11+$0x290]  }
0x183: {  	v54 =	vld [tilespmem:s11+$0x8290]  }
0x184: {  	v1 =	vld [tilespmem:s11+$0x2C0]  }
0x185: {  	v2 =	vld [tilespmem:s11+$0x82C0]  }
0x186: {  	v3 =	vld [tilespmem:s11+$0x250]  }
0x187: {  	v4 =	vld [tilespmem:s11+$0x8250]  }
0x188: {  	v55 =	vld [tilespmem:s11+$0x280]  }
0x189: {  	v56 =	vld [tilespmem:s11+$0x8280]  }
0x18a: {  	v59 =	vld [tilespmem:s11+$0x1E0]  }
0x18b: {  	v5 =	vld [tilespmem:s11+$0x210]  }
0x18c: {  	v6 =	vld [tilespmem:s11+$0x8210]  }
0x18d: {  	v7 =	vld [tilespmem:s11+$0x240]  }
0x18e: {  	v8 =	vld [tilespmem:s11+$0x8240]  }
0x18f: {  	v21 =	vld [tilespmem:s11+$0x1D0]  }
0x190: {  	v9 =	vld [tilespmem:s11+$0x200]  }
0x191: {  	v10 =	vld [tilespmem:s11+$0x8200]  }
0x192: {  	v11 =	vld [tilespmem:s11+$0x190]  }
0x193: {  	v12 =	vld [tilespmem:s11+$0x8190]  }
0x194: {  	v22 =	vld [tilespmem:s11+$0x1C0]  }
0x195: {  	v19 =	vld [tilespmem:s11+$0x81C0]  }
0x196: {  	v26 =	vld [tilespmem:s11+$0x80F0]  }
0x197: {  	v20 =	vld [tilespmem:s11+$0x120]  }
0x198: {  	v13 =	vld [tilespmem:s11+$0x150]  }
0x199: {  	v24 =	vld [tilespmem:s11+$0x8150]  }
0x19a: {  	v15 =	vld [tilespmem:s11+$0x180]  }
0x19b: {  	v16 =	vld [tilespmem:s11+$0x8180]  }
0x19c: {  	v25 =	vld [tilespmem:s11+$0xB0]  }
0x19d: {  	v28 =	vld [tilespmem:s11+$0x80B0]  }
0x19e: {  	v30 =	vld [tilespmem:s11+$0xE0]  }
0x19f: {  	v31 =	vld [tilespmem:s11+$0x80E0]  }
0x1a0: {  	v14 =	vld [tilespmem:s11+$0x110]  }
0x1a1: {  	v18 =	vld [tilespmem:s11+$0x140]  }
0x1a2: {  	v17 =	vld [tilespmem:s11+$0x8140]  }
0x1a3: {  	[tilespmem:$0x1FED0] =	vst v36;
	v36 =	vld [tilespmem:s11+$0x8330]  }
0x1a4: {  	[tilespmem:$0x1FEE0] =	vst v37;
	v37 =	vld [tilespmem:s11+$0x2E0]  }
0x1a5: {  	[tilespmem:$0x1FF00] =	vst v39;
	v39 =	vld [tilespmem:s11+$0x270]  }
0x1a6: {  	[tilespmem:$0x1FD50] =	vst v41;
	v41 =	vld [tilespmem:s11+$0x8270]  }
0x1a7: {  	[tilespmem:$0x1FD60] =	vst v0;
	v0 =	vld [tilespmem:s11+$0x8300]  }
0x1a8: {  	[tilespmem:$0x1FD80] =	vst v51;
	v51 =	vld [tilespmem:s11+$0x260]  }
0x1a9: {  	[tilespmem:$0x1FEF0] =	vst v38;
	v38 =	vld [tilespmem:s11+$0x8260]  }
0x1aa: {  	[tilespmem:$0x1FF50] =	vst v49;
	v49 =	vld [tilespmem:s11+$0x220]  }
0x1ab: {  	[tilespmem:$0x1FD70] =	vst v50;
	v50 =	vld [tilespmem:s11+$0x8220]  }
0x1ac: {  	[tilespmem:$0x1FF30] =	vst v44;
	v44 =	vld [tilespmem:s11+$0x1B0]  }
0x1ad: {  	[tilespmem:$0x1FF40] =	vst v45;
	v45 =	vld [tilespmem:s11+$0x81B0]  }
0x1ae: {  	[tilespmem:$0x1FF10] =	vst v42;
	v42 =	vld [tilespmem:s11+$0x170]  }
0x1af: {  	[tilespmem:$0x1FF20] =	vst v43;
	v43 =	vld [tilespmem:s11+$0x8170]  }
0x1b0: {  	[tilespmem:$0x1FF90] =	vst v56;
	v56 =	vld [tilespmem:s11+$0x1A0]  }
0x1b1: {  	[tilespmem:$0x1FFA0] =	vst v59;
	v59 =	vld [tilespmem:s11+$0x81A0]  }
0x1b2: {  	[tilespmem:$0x1FF60] =	vst v53;
	v53 =	vld [tilespmem:s11+$0x81D0]  }
0x1b3: {  	[tilespmem:$0x1FD40] =	vst v40;
	v40 =	vld [tilespmem:s11+$0x160]  }
0x1b4: {  	[tilespmem:$0x1FF80] =	vst v55;
	v55 =	vld [tilespmem:s11+$0x8160]  }
0x1b5: {  	[tilespmem:$0x1FF70] =	vst v54;
	v54 =	vld [tilespmem:s11+$0xF0]  }
0x1b6: {  	v62 =	vmul.f32 v62, v23;
	v23 =	vld [tilespmem:s11+$0x8110]  }
0x1b7: {  	v52 =	vmul.f32 v52, v27;
	v27 =	vld [tilespmem:s11+$0x30];
	v57 =	vmul.f32 v60, v57  }
0x1b8: {  	v1 =	vmul.f32 v2, v1;
	v32 =	vmul.f32 v35, v32;
	v35 =	vld [tilespmem:s11+$0x80A0];
	v62 =	vadd.f32 $0.0e+00, v62  }
0x1b9: {  	v47 =	vmul.f32 v48, v47;
	v48 =	vld [tilespmem:s11+$0xD0];
	v60 =	vmul.f32 v61, v58  }
0x1ba: {  	v1 =	vadd.f32 $0.0e+00, v1;
	v52 =	vadd.f32 v52, v62;
	v62 =	vmul.f32 v34, v29;
	v29 =	vld [tilespmem:s11+$0x8030]  }
0x1bb: {  	v34 =	vld [tilespmem:s11+$0xA0]  }
0x1bc: {  	v1 =	vadd.f32 v60, v1;
	v60 =	vmul.f32 v6, v5;
	v5 =	vld [tilespmem:s11+$0xC0];
	v0 =	vmul.f32 v0, v63  }
0x1bd: {  	v61 =	vmul.f32 v36, v33;
	v33 =	vld [tilespmem:s11+$0x8100]  }
0x1be: {  	v36 =	vld [tilespmem:s11+$0x20];
	v0 =	vadd.f32 $0.0e+00, v0  }
0x1bf: {  	v7 =	vmul.f32 v8, v7;
	v37 =	vmul.f32 v46, v37;
	v46 =	vld [tilespmem:$0x1FD40];
	v63 =	vadd.f32 v62, v52  }
0x1c0: {  	v52 =	vmul.f32 v38, v51;
	v51 =	vmul.f32 v17, v18;
	v17 =	vld [tilespmem:$0x1FD60];
	v0 =	vadd.f32 v57, v0  }
0x1c1: {  	v3 =	vmul.f32 v4, v3;
	v62 =	vadd.f32 $0.0e+00, v7;
	v38 =	vld [tilespmem:s11+$0x10];
	v2 =	vadd.f32 v32, v63  }
0x1c2: {  	v1 =	vadd.f32 v37, v1;
	v37 =	vld [tilespmem:s11+$0x8020];
	v0 =	vadd.f32 v47, v0  }
0x1c3: {  	(xrf2) =	vadd.scan.msk.f32 $0xffff, v2;
	v2 =	vadd.f32 v3, v62;
	v47 =	vld [tilespmem:$0x1FD50]  }
0x1c4: {  	v32 =	vld [tilespmem:s11+$0x100];
	v0 =	vadd.f32 v61, v0  }
0x1c5: {  	v63 =	vmul.f32 v10, v9;
	v2 =	vadd.f32 v52, v2;
	v52 =	vld [tilespmem:$0x1FD70]  }
0x1c6: {  	v61 =	vmul.f32 v16, v15;
	v16 =	vmov v53;
	v53 =	vld [tilespmem:$0x1FD80];
	(xrf2) =	vadd.scan.msk.f32 $0xffff, v0  }
0x1c7: {  	v9 =	vld [tilespmem:s11+$0x8080];
	v58 =	vadd.f32 $0.0e+00, v63;
	v62 =	vmul.f32 v41, v39  }
0x1c8: {  	v42 =	vmul.f32 v43, v42;
	v63 =	vld [tilespmem:s11+$0x80C0];
	v7 =	vmul.f32 v47, v46  }
0x1c9: {  	v57 =	vld [tilespmem:s11+$0x80D0];
	v2 =	vadd.f32 v62, v2;
	v0 =	vadd.f32 v60, v58;
	v47 =	vmul.f32 v50, v49  }
0x1ca: {  	v39 =	vld [tilespmem:s11+$0x8090];
	v49 =	vadd.f32 $0.0e+00, v61;
	v50 =	vmul.f32 v12, v11;
	v1 =	vadd.f32 v7, v1  }
0x1cb: {  	p0 =	sne.s32 s13, $0x1F000;
	v3 =	vld [tilespmem:s11+$0x80];
	v58 =	vmul.f32 v59, v56;
	v0 =	vadd.f32 v47, v0;
	v4 =	vmul.f32 v53, v52  }
.Ltmp0:
0x1cc: {  	v41 =	vld [tilespmem:s11+$0x8000];
	v59 =	vadd.f32 $0.0e+00, v51;
	v60 =	vmul.f32 v24, v13;
	(xrf2) =	vadd.scan.msk.f32 $0xffff, v1;
	v1 =	vadd.f32 v50, v49;
	(pc) =	sbr.rel @p0 .LBB2_2-.Ltmp0, $4  }
0x1cd: {  	v18 =	vmovc v22;
	v62 =	vmul.f32 v45, v44;
	v44 =	vld [tilespmem:s11+$0x8010];
	v61 =	vmul.f32 v63, v5;
	v0 =	vadd.f32 v4, v0  }
0x1ce: {  	v45 =	vld [tilespmem:s11+$0x40];
	v63 =	vmul.f32 v55, v40;
	(xrf2) =	vadd.scan.msk.f32 $0xffff, v2;
	v2 =	vadd.f32 v60, v59;
	v1 =	vadd.f32 v58, v1  }
0x1cf: {  	v15 =	vmov v21;
	v48 =	vmul.f32 v57, v48;
	v46 =	vld [tilespmem:s11+$0x90];
	v51 =	vadd.f32 $0.0e+00, v61;
	v52, _, _ =	vpop (xrf2)  }
0x1d0: {  	s13 =	sadd.s32 $0x1000, s13;
	v47 =	vld [tilespmem:s11+$0x0];
	v50 =	vmul.f32 v9, v3;
	(xrf2) =	vadd.scan.msk.f32 $0xffff, v0;
	v49 =	vadd.f32 v63, v2;
	v40 =	vadd.f32 v62, v1;
	v21, _, _ =	vpop (xrf2)  }
0x1d1: {  	v0 =	vld [tilespmem:s11+$0x8040]  }
0x1d2: {  	v2 =	vld [tilespmem:s11+$0x50]  }
0x1d3: {  	v6 =	vld [tilespmem:s11+$0x8050]  }
0x1d4: {  	v9 =	vld [tilespmem:s11+$0x60]  }
0x1d5: {  	v11 =	vld [tilespmem:s11+$0x8060]  }
0x1d6: {  	v12 =	vld [tilespmem:s11+$0x70]  }
0x1d7: {  	v24 =	vmul.f32 v26, v54;
	v26 =	vld [tilespmem:s11+$0x8070]  }
0x1d8: {  	v25 =	vmul.f32 v28, v25;
	v28 =	vld [tilespmem:s11+$0x8120]  }
0x1d9: {  	v7 =	vmul.f32 v31, v30;
	v31 =	vld [tilespmem:s11+$0x130]  }
0x1da: {  	v30 =	vmul.f32 v33, v32;
	v33 =	vld [tilespmem:s11+$0x8130]  }
0x1db: {  	v13 =	vmul.f32 v37, v36;
	v36 =	vld [tilespmem:s11+$0x81E0]  }
0x1dc: {  	v4 =	vadd.f32 v48, v51;
	v48 =	vld [tilespmem:$0x1FF90]  }
0x1dd: {  	v51 =	vld [tilespmem:s11+$0x82B0]  }
0x1de: {  	v55 =	vld [tilespmem:$0x1FF60]  }
0x1df: {  	v56 =	vld [tilespmem:$0x1FF70]  }
0x1e0: {  	v57 =	vld [tilespmem:s11+$0x8360]  }
0x1e1: {  	v60 =	vld [tilespmem:$0x1FF30]  }
0x1e2: {  	v22 =	vmul.f32 v35, v34;
	v34 =	vmul.f32 v29, v27;
	v61 =	vld [tilespmem:$0x1FF40]  }
0x1e3: {  	v35 =	vmul.f32 v23, v14;
	v62 =	vld [tilespmem:s11+$0x370];
	v3 =	vadd.f32 $0.0e+00, v50;
	v5 =	vmul.f32 v41, v47  }
0x1e4: {  	v8 =	vadd.f32 v42, v49;
	v42 =	vld [tilespmem:s11+$0x81F0];
	v1 =	vmul.f32 v39, v46;
	v0 =	vmul.f32 v0, v45  }
0x1e5: {  	v10 =	vmul.f32 v44, v38;
	v49 =	vld [tilespmem:s11+$0x2B0];
	v4 =	vadd.f32 v7, v4;
	v5 =	vadd.f32 $0.0e+00, v5  }
0x1e6: {  	v50 =	vld [tilespmem:$0x1FFA0];
	v1 =	vadd.f32 v1, v3;
	v2 =	vmul.f32 v6, v2;
	v0 =	vadd.f32 $0.0e+00, v0  }
0x1e7: {  	v38 =	vmul.f32 v19, v18;
	v39 =	vld [tilespmem:s11+$0x1F0];
	v4 =	vadd.f32 v24, v4;
	v5 =	vadd.f32 v10, v5  }
0x1e8: {  	v47 =	vld [tilespmem:$0x1FF80];
	v32 =	vmul.f32 v11, v9;
	v1 =	vadd.f32 v22, v1;
	v0 =	vadd.f32 v2, v0  }
0x1e9: {  	(xrf2) =	vadd.scan.msk.f32 $0xffff, v40;
	v3 =	vadd.f32 $0.0e+00, v30;
	v37 =	vmul.f32 v26, v12;
	v45 =	vld [tilespmem:s11+$0x82A0];
	v5 =	vadd.f32 v13, v5  }
0x1ea: {  	(xrf2) =	vadd.scan.msk.f32 $0xffff, v8;
	v41 =	vmul.f32 v28, v20;
	v20 =	vld [tilespmem:$0x1FF50];
	v1 =	vadd.f32 v25, v1;
	v0 =	vadd.f32 v32, v0  }
0x1eb: {  	v44 =	vmul.f32 v16, v15;
	v26 =	vld [tilespmem:$0x1FF20];
	(xrf2) =	vadd.scan.msk.f32 $0xffff, v4;
	v3 =	vadd.f32 v35, v3;
	v40 =	vadd.f32 v34, v5  }
0x1ec: {  	v43 =	vadd.f32 $0.0e+00, v38;
	v46 =	vmul.f32 v33, v31;
	v33 =	vld [tilespmem:$0x1FEE0];
	(xrf2) =	vadd.scan.msk.f32 $0xffff, v1;
	v0 =	vadd.f32 v37, v0  }
0x1ed: {  	v3 =	vadd.f32 v41, v3;
	v25 =	vld [tilespmem:$0x1FF10];
	v5 =	vmul.f32 v48, v47;
	(xrf2) =	vadd.scan.msk.f32 $0xffff, v40  }
0x1ee: {  	v2 =	vmul.f32 v36, v50;
	v1 =	vadd.f32 v44, v43;
	v32 =	vld [tilespmem:$0x1FF00];
	(xrf2) =	vadd.scan.msk.f32 $0xffff, v0  }
0x1ef: {  	v4 =	vmul.f32 v56, v55;
	v53 =	vadd.f32 v46, v3;
	v34 =	vld [tilespmem:$0x1FEF0];
	v54 =	vadd.f32 $0.0e+00, v5  }
0x1f0: {  	v58, _, _ =	vpop (xrf2);
	v6 =	vmul.f32 v61, v60;
	v22 =	vld [tilespmem:s11+$0x8370];
	v59 =	vmul.f32 v42, v39;
	v1 =	vadd.f32 v2, v1  }
0x1f1: {  	v63, _, _ =	vpop (xrf2);
	v37 =	vld [tilespmem:$0x1FED0];
	v3 =	vadd.f32 v4, v54;
	v4 =	vmul.f32 v45, v20;
	(xrf2) =	vadd.scan.msk.f32 $0xffff, v53  }
0x1f2: {  	v27 =	vld [tilespmem:s11+$0x3E0];
	v24 =	vadd.f32 $0.0e+00, v6;
	v23, _, _ =	vpop (xrf2);
	v6 =	vmul.f32 v26, v25;
	v1 =	vadd.f32 v59, v1  }
0x1f3: {  	v30 =	vld [tilespmem:s11+$0x83E0];
	v29 =	vmul.f32 v51, v49;
	v28, _, _ =	vpop (xrf2);
	v3 =	vadd.f32 v4, v3  }
0x1f4: {  	v38 =	vld [tilespmem:s11+$0x83F0];
	v31, _, _ =	vpop (xrf2);
	v2 =	vadd.f32 v6, v24;
	v5 =	vmul.f32 v57, v32;
	v6 =	vmul.f32 v34, v33;
	(xrf2) =	vadd.scan.msk.f32 $0xffff, v1  }
0x1f5: {  	v35 =	vld [tilespmem:s11+$0x3F0];
	v40 =	vmul.f32 v22, v62;
	v36, _, _ =	vpop (xrf2);
	v3 =	vadd.f32 v29, v3  }
0x1f6: {  	v4 =	vmul.f32 v37, v17;
	v2 =	vadd.f32 v5, v2;
	v6 =	vadd.f32 $0.0e+00, v6;
	v39, _, _ =	vpop (xrf2)  }
0x1f7: {  	(xrf2) =	vadd.scan.msk.f32 $0xffff, v3;
	v41, _, _ =	vpop (xrf2)  }
0x1f8: {  	v43 =	vmul.f32 v30, v27;
	v2 =	vadd.f32 v40, v2;
	v42 =	vadd.f32 v4, v6;
	v44, _, _ =	vpop (xrf2)  }
0x1f9: {  	v45 =	vbroadcast v41, $0xF;
	v5 =	vbroadcast v44, $0xF  }
0x1fa: {  	v47 =	vmul.f32 v38, v35;
	v46 =	vbroadcast v39, $0xF;
	v3 =	vadd.f32 v43, v42;
	(xrf2) =	vadd.scan.msk.f32 $0xffff, v2  }
0x1fb: {  	v1 =	vbroadcast v36, $0xF;
	v49, _, _ =	vpop (xrf2);
	v48 =	vsel vm0, v45, v5  }
0x1fc: {  	v3 =	vadd.f32 v47, v3;
	v5 =	vbroadcast v49, $0xF;
	v2 =	vsel vm1, v48, v46  }
0x1fd: {  	v50 =	vbroadcast v31, $0xF;
	v1 =	vsel vm2, v2, v1  }
0x1fe: {  	v51 =	vbroadcast v28, $0xF;
	v53, _, _ =	vpop (xrf2);
	(xrf2) =	vadd.scan.msk.f32 $0xffff, v3;
	v1 =	vsel vm3, v1, v5  }
0x1ff: {  	v54 =	vbroadcast v53, $0xF;
	v1 =	vsel vm4, v1, v50  }
0x200: {  	v0 =	vbroadcast v23, $0xF;
	v1 =	vsel vm5, v1, v51  }
0x201: {  	v55 =	vbroadcast v63, $0xF;
	v56, _, _ =	vpop (xrf2);
	v1 =	vsel vm6, v1, v54  }
0x202: {  	v57 =	vbroadcast v56, $0xF;
	v0 =	vsel vm7, v1, v0  }
0x203: {  	v58 =	vbroadcast v58, $0xF;
	v0 =	vsel vm8, v0, v55  }
0x204: {  	v59 =	vbroadcast v21, $0xF;
	v60, _, _ =	vpop (xrf2);
	v0 =	vsel vm9, v0, v57  }
0x205: {  	v61 =	vbroadcast v60, $0xF;
	v0 =	vsel vm10, v0, v58  }
0x206: {  	v62 =	vbroadcast v52, $0xF;
	v0 =	vsel vm11, v0, v59  }
0x207: {  	v0 =	vsel vm12, v0, v61  }
0x208: {  	s10 =	sadd.s32 $0x1, s10;
	v63, _, _ =	vpop (xrf2);
	v0 =	vsel vm13, v0, v62  }
0x209: {  	s31 =	sadd.s32 $0x10, s12;
	p0 =	sne.s32 s10, s6;
	v0 =	vsel vm14, v0, v63  }
.Ltmp1:
0x20a: {  	[tilespmem:s31+$0x0] =	vst v0;
	(pc) =	sbr.rel @p0 .LBB2_1-.Ltmp1, $4  }
0x20b: {  	[hbm4b:s5+s2] =	stream.linear.scatter [tilespmem:s9], [sflag:$0x1], $0x200, $0x38;
	[tilespmem:$0x10200] =	vst v63  }
0x20c: {  	_ =	swait.ge [sflag:s7], $0x200  }
0x20d: {  	[sflag:s7] =	ssyncset.done $0x0  }
0x20e: {  	[sflag:s7] =	ssyncadd.s32 $0xFFFFFE00  }
0x20f: {  	_ =	sfence.sel $0x180000  }
0x210: {  	[bflag:$0x0] =	sbarrier.arrive $0xFFFF  }
0x211: {  	p0 =	sne.s32 s1, $0x0;
	_ =	strace $0x9000004D  }
0x212: {  	s0 =	sadd.s32 @!p0 $0x100000, s0;
	[bflag:$0x2] =	sbarrier.arrive $0xFFFF  }
0x213: {  	[sflag:s0] =	ssyncadd.tile.s32 @!p0 $0x1;
	_ =	shalt  }
.Lfunc_end2:
_tile_overlayer_lowered:
.L_overlay_start_2:
0x214: {  	(tag) =	ssettag $0x2  }
0x215: {  	s0 =	rddreg [dreg:$0x0];
	s2 =	stileid.u32  }
0x216: {  	s1 =	rddreg [dreg:$0x1];
	p0 =	sne.s32 s2, $0x0  }
0x217: {  	s3 =	rddreg [dreg:$0x2];
	[bflag:$0x3] =	sbarrier.arrive $0xFFFF;
	s2 =	simm.s32 @!p0 $0x1C01  }
0x218: {  	[timem:s3], [sflag:s2] =	dma.local @!p0 [hbm:s0], s1  }
0x219: {  	s0 =	simm.s32 @!p0 $0x1  }
0x21a: {  	_ =	swait.ge @!p0 [sflag:s0], s1  }
0x21b: {  	s1 =	ssub.s32 @!p0 $0x0, s1;
	[sflag:s0] =	ssyncset.done @!p0 $0x0  }
0x21c: {  	[sflag:s0] =	ssyncadd.s32 @!p0 s1  }
0x21d: {  	[bflag:$0x3] =	sbarrier.arrive $0xFFFF  }
0x21e: {  	_ =	shalt  }

// kernel: _run.5.cloned.1.call-start
scs
__scs_entry_jumppad:
0x0: {  	(pc) =	sbr.rel $0x88, $3  }
0x1: {  	(tag) =	ssettag $0x0;
	lr =	simm.s32 $0x1  }
0x2: {  	[smem:$0x3F9D] =	sst lr;
	_ =	strace $0xD0000000  }
0x3: {  	_ = 	snop  }
0x4: {  	_ = 	snop  }
0x5: {  	_ = 	snop  }
0x6: {  	_ = 	snop  }
0x7: {  	_ = 	snop  }
__scs_overlays_trampoline_lowered:
0x8: {  	[smem:$0x3FAC] =	sst s0  }
0x9: {  	[smem:$0x3FAD] =	sst s1  }
0xa: {  	[smem:$0x3FAE] =	sst s2  }
0xb: {  	[smem:$0x3FAF] =	sst s3  }
0xc: {  	[smem:$0x3FB0] =	sst s4  }
0xd: {  	[smem:$0x3FB1] =	sst s5  }
0xe: {  	[smem:$0x3FB2] =	sst s6  }
0xf: {  	[smem:$0x3FB3] =	sst s7  }
0x10: {  	[smem:$0x3FB4] =	sst s8  }
0x11: {  	[smem:$0x3FB5] =	sst s9;
	s0 =	simm.s32 @!p0 $0x0  }
0x12: {  	s1 =	sld [smem:$0x3F9B];
	s0 =	simm.s32 @p0 $0x1  }
0x13: {  	[smem:$0x3FB6] =	sst s0;
	s0 =	simm.s32 @!p1 $0x0  }
0x14: {  	s2 =	sld [smem:$0x3F9A];
	s0 =	simm.s32 @p1 $0x1  }
0x15: {  	[smem:$0x3FB7] =	sst s0;
	s0 =	simm.s32 @!p2 $0x0  }
0x16: {  	s3 =	sld [smem:$0x3FDB];
	s0 =	simm.s32 @p2 $0x1  }
0x17: {  	s4 =	simm.s32 $0x1BF5;
	[smem:$0x3FB9] =	sst s0  }
0x18: {  	s0 =	sld [smem:$0x3F9C];
	_ =	swait.ge [sflag:s4], $0x0  }
0x19: {  	s7 =	sld [smem:$0x3F9D]  }
0x1a: {  	s8 =	sadd.s32 $0xFFFFE003, lr  }
0x1b: {  	s9 =	sadd.s32 $0xFFFFFEF7, lr;
	s5 =	simm.s32 $0xFFFFFFFF;
	p2 =	slt.u32 s8, $0xFFFFF086  }
0x1c: {  	p1 =	slt.u32 s9, $0xF7A;
	s5 =	simm.s32 @!p2 $0x0  }
0x1d: {  	s5 =	simm.s32 @p1 $0x1;
	p0 =	seq.s32 s7, s2  }
0x1e: {  	s7 =	smul.u32 @!p0 $0xF7A, s2;
	p2 =	seq.s32 @!p0 s5, $0x0  }
0x1f: {  	s9 =	smul.u32 $0xF7A, s1;
	s8 =	simm.s32 @!p0 $0x1BF5;
	p2 =	por !p2, p0  }
0x20: {  	[sflag:s8] =	ssyncset.s32 @!p0 $0xFFFFF086;
	s6 =	sadd.s32 @!p0 s3, s7;
	s7 =	simm.s32 @!p0 $0x108  }
0x21: {  	s3 =	sadd.s32 s3, s9;
	s6 =	sadd.s32 @!p0 $0x88, s6;
	s7 =	simm.s32 @p2 $0x1082  }
0x22: {  	[simem:s7], [sflag:s8] =	dma.local @!p0 [hbm:s6], $0xF7A  }
0x23: {  	s9 =	sor.u32 $0xD0000000, s2;
	s6 =	simm.s32 $0x108;
	_ =	swait.ge @!p0 [sflag:s8], $0x0  }
0x24: {  	s3 =	sadd.s32 $0x88, s3;
	s6 =	simm.s32 @!p1 $0x1082;
	[sflag:s4] =	ssyncset.s32 $0xFFFFF086  }
0x25: {  	[simem:s6], [sflag:s4] =	dma.local [hbm:s3], $0xF7A  }
0x26: {  	[smem:$0x3F9D] =	sst s1;
	(tag) =	ssettag s2;
	_ =	strace s9  }
0x27: {  	s1 =	sld [smem:$0x3FAD]  }
0x28: {  	s2 =	sld [smem:$0x3FAE]  }
0x29: {  	s4 =	sld [smem:$0x3FB0]  }
0x2a: {  	p0 =	seq.s32 s5, $0x0;
	s5 =	sld [smem:$0x3FB1]  }
0x2b: {  	s6 =	sld [smem:$0x3FB2]  }
0x2c: {  	s7 =	sld [smem:$0x3FB3]  }
0x2d: {  	s3 =	simm.s32 $0x108;
	s8 =	sld [smem:$0x3FB4]  }
0x2e: {  	s3 =	simm.s32 @!p0 $0x1082;
	s9 =	sld [smem:$0x3FB5]  }
0x2f: {  	lr =	sadd.s32 s0, s3;
	s0 =	sld [smem:$0x3FAC]  }
0x30: {  	s3 =	sld [smem:$0x3FAF]  }
0x31: {  	[smem:$0x3FB8] =	sst s10  }
0x32: {  	s10 =	sld [smem:$0x3FB6];
	_ =	sdelay $0x3  }
0x33: {  	p0 =	seq.s32 s10, $0x1;
	s10 =	sld [smem:$0x3FB8];
	_ =	sdelay $0x3  }
0x34: {  	[smem:$0x3FB8] =	sst s10  }
0x35: {  	s10 =	sld [smem:$0x3FB7];
	_ =	sdelay $0x3  }
0x36: {  	p1 =	seq.s32 s10, $0x1;
	s10 =	sld [smem:$0x3FB8];
	_ =	sdelay $0x3  }
0x37: {  	[smem:$0x3FB8] =	sst s10  }
0x38: {  	s10 =	sld [smem:$0x3FB9]  }
0x39: {  	_ = 	snop;
	(pc) =	sbr.ind lr, $3  }
0x3a: {  	_ = 	snop  }
0x3b: {  	_ = 	snop  }
0x3c: {  	p2 =	seq.s32 s10, $0x1;
	s10 =	sld [smem:$0x3FB8]  }
0x3d: {  	_ =	shalt  }
0x3e: {  	_ =	shalt  }
0x3f: {  	_ =	shalt  }
0x40: {  	_ =	shalt  }
0x41: {  	_ =	shalt  }
0x42: {  	_ =	shalt  }
0x43: {  	_ =	shalt  }
0x44: {  	_ =	shalt  }
0x45: {  	_ =	shalt  }
0x46: {  	_ =	shalt  }
0x47: {  	_ =	shalt  }
0x48: {  	_ =	shalt  }
0x49: {  	_ =	shalt  }
0x4a: {  	_ =	shalt  }
0x4b: {  	_ =	shalt  }
0x4c: {  	_ =	shalt  }
0x4d: {  	_ =	shalt  }
0x4e: {  	_ =	shalt  }
0x4f: {  	_ =	shalt  }
0x50: {  	_ =	shalt  }
0x51: {  	_ =	shalt  }
0x52: {  	_ =	shalt  }
0x53: {  	_ =	shalt  }
0x54: {  	_ =	shalt  }
0x55: {  	_ =	shalt  }
0x56: {  	_ =	shalt  }
0x57: {  	_ =	shalt  }
0x58: {  	_ =	shalt  }
0x59: {  	_ =	shalt  }
0x5a: {  	_ =	shalt  }
0x5b: {  	_ =	shalt  }
0x5c: {  	_ =	shalt  }
0x5d: {  	_ =	shalt  }
0x5e: {  	_ =	shalt  }
0x5f: {  	_ =	shalt  }
0x60: {  	_ =	shalt  }
0x61: {  	_ =	shalt  }
0x62: {  	_ =	shalt  }
0x63: {  	_ =	shalt  }
0x64: {  	_ =	shalt  }
0x65: {  	_ =	shalt  }
0x66: {  	_ =	shalt  }
0x67: {  	_ =	shalt  }
0x68: {  	_ =	shalt  }
0x69: {  	_ =	shalt  }
0x6a: {  	_ =	shalt  }
0x6b: {  	_ =	shalt  }
0x6c: {  	_ =	shalt  }
0x6d: {  	_ =	shalt  }
0x6e: {  	_ =	shalt  }
0x6f: {  	_ =	shalt  }
0x70: {  	_ =	shalt  }
0x71: {  	_ =	shalt  }
0x72: {  	_ =	shalt  }
0x73: {  	_ =	shalt  }
0x74: {  	_ =	shalt  }
0x75: {  	_ =	shalt  }
0x76: {  	_ =	shalt  }
0x77: {  	_ =	shalt  }
0x78: {  	_ =	shalt  }
0x79: {  	_ =	shalt  }
0x7a: {  	_ =	shalt  }
0x7b: {  	_ =	shalt  }
0x7c: {  	_ =	shalt  }
0x7d: {  	_ =	shalt  }
0x7e: {  	_ =	shalt  }
0x7f: {  	_ =	shalt  }
0x80: {  	_ =	shalt  }
0x81: {  	_ =	shalt  }
0x82: {  	_ =	shalt  }
0x83: {  	_ =	shalt  }
0x84: {  	_ =	shalt  }
0x85: {  	_ =	shalt  }
0x86: {  	_ =	shalt  }
0x87: {  	_ =	shalt  }
.Lfunc_end0:
.L_simem_size_0:
called_computation_lowered:
.L_overlay_start_0:
0x88: {  	s2 =	sld [smem:$0x3FD9]  }
0x89: {  	s3 =	sld [smem:$0x3FFE];
	_ =	sdelay $0x1  }
0x8a: {  	s1 =	srdreg.scid  }
0x8b: {  	s0 =	sand.u32 $0x1, s1  }
0x8c: {  	s17 =	sshll.u32 s0, $0xA;
	s2 =	sadd.s32 s3, s2  }
0x8d: {  	s2 =	sadd.s32 s2, s17  }
0x8e: {  	[smem:$0x3FC4] =	sst s2  }
0x8f: {  	_ = 	snop  }
0x90: {  	s2 =	sld [smem:$0x3FC9];
	(tm) =	ssettm $0x1  }
0x91: {  	s18 =	sld [smem:$0x3FFB];
	_ =	sdelay $0x3  }
0x92: {  	_ =	strace s18  }
0x93: {  	s3 =	sld [smem:$0x3FFC];
	_ =	sdelay $0x3  }
0x94: {  	_ =	strace s3  }
0x95: {  	s3 =	sld [smem:$0x3FFD];
	_ =	sdelay $0x3  }
0x96: {  	_ =	strace s3  }
0x97: {  	_ =	strace $0x8FFFFFFF  }
0x98: {  	s19 =	sld [smem:$0x3FDB];
	_ =	sdelay $0x1  }
0x99: {  	s4 =	simm.s32 $_scs_section_size  }
0x9a: {  	s5 =	simm.s32 $_size__tile_overlayer_lowered;
	s6 =	simm.s32 $_tile_overlayer_lowered  }
0x9b: {  	s22 =	simm.s32 $0x1BFF;
	s21 =	sshll.u32 s6, $0x1;
	s3 =	sadd.s32 s4, s19  }
0x9c: {  	s7 =	simm.s32 $0x0;
	s20 =	sshll.u32 s5, $0x1;
	s5 =	sadd.s32 s21, s3  }
0x9d: {  	[timem:s7], [sflag:s22] =	dma.local [hbm:s5], s20  }
0x9e: {  	_ =	swait.ge [sflag:s22], s20  }
0x9f: {  	s4 =	ssub.s32 $0x0, s20;
	[sflag:s22] =	ssyncset.done $0x0  }
0xa0: {  	[sflag:s22] =	ssyncadd.s32 s4;
	_ =	sdelay $0x1  }
0xa1: {  	s23 =	simm.s32 $0x1B8B  }
0xa2: {  	_ =	swait.ge [sflag:s23], $0x1  }
0xa3: {  	[sflag:s23] =	ssyncset.done $0x0  }
0xa4: {  	s25 =	simm.s32 $0x1B8E;
	s24 =	sld [smem:$0x3FFE];
	[sflag:s23] =	ssyncadd.s32 $0xFFFFFFFF  }
0xa5: {  	s26 =	simm.s32 $execute0_lowered;
	[smem:$0x3FD2] =	sst s25  }
0xa6: {  	s5 =	sshll.u32 s26, $0x1;
	_ =	strace $0x80000046;
	[dreg:$0x1] =	wrdreg $0xFFFFFFFF  }
0xa7: {  	s28 =	simm.s32 $_size_execute0_lowered;
	s3 =	sadd.s32 s3, s5;
	[dreg:$0x0] =	wrdreg $0x0  }
0xa8: {  	s5 =	sshll.u32 s28, $0x1;
	[dreg:$0x2] =	wrdreg s3  }
0xa9: {  	[dreg:$0x3] =	wrdreg s5  }
0xaa: {  	[dreg:$0x4] =	wrdreg $0xC0  }
0xab: {  	_ =	task [dreg:s7], $0x5FFFF  }
0xac: {  	[dreg:$0x1] =	wrdreg $0xFFFFFFFF  }
0xad: {  	[dreg:$0x0] =	wrdreg $0x60  }
0xae: {  	[dreg:$0x2] =	wrdreg s2  }
0xaf: {  	[dreg:$0x3] =	wrdreg s24  }
0xb0: {  	[dreg:$0x4] =	wrdreg $0x9  }
0xb1: {  	_ =	task.clear_ibuf [dreg:s7], $0x5FFFF;
	_ =	strace $0x90000046  }
0xb2: {  	s29 =	simm.s32 $0x9;
	_ =	strace $0x80000048  }
0xb3: {  	_ =	swait.ge [sflag:s29], $0x1  }
0xb4: {  	[sflag:s29] =	ssyncadd.s32 $0xFFFFFFFF  }
0xb5: {  	_ =	strace $0x90000048  }
0xb6: {  	_ =	sfence  }
0xb7: {  	s30 =	sld [smem:$0x0];
	_ =	sdelay $0x2  }
0xb8: {  	s31 =	sshll.u32 s1, $0xD;
	s1 =	sshrl.u32 s1, $0x2  }
0xb9: {  	s3 =	sand.u32 $0x4000, s31;
	s1 =	sadd.s32 s1, s30  }
0xba: {  	s0 =	sor.u32 s3, s0;
	s1 =	sshll.u32 s1, $0x11  }
0xbb: {  	s0 =	sor.u32 s1, s0  }
0xbc: {  	s0 =	sadd.s32 $0x8F2B, s0  }
0xbd: {  	[sflag:s0] =	ssyncadd.remote.s32 $0x1  }
0xbe: {  	_ =	sfence.sel $0xFFFF  }
0xbf: {  	[dreg:$0x0] =	wrdreg $0xFFFFFFFF;
	(pc) =	sbr.abs _section_cstart, $3  }
0xc0: {  	[dreg:$0x1] =	wrdreg $0xFFFFFFFF  }
0xc1: {  	_ =	task.clear_ibuf [dreg:s7], $0x2FFFF;
	_ =	strace $0x9FFFFFFF  }
0xc2: {  	(tm) =	ssettm $0x7FFFFFFF  }
0xc3: {  	_ =	shalt  }
tec
execute0_lowered:
.L_overlay_start_1:
0x0: {  	(tag) =	ssettag $0x1  }
0x1: {  	s3 =	rddreg [dreg:$0x0]  }
0x2: {  	s1 =	srdreg.scid;
	s0 =	stileid.u32  }
0x3: {  	s14 =	rddreg [dreg:$0x1];
	s15 =	sand.u32 $0x1, s1;
	s4 =	sshll.u32 s0, $0x1  }
0x4: {  	s2 =	simm.s32 $0x0;
	s1 =	rddreg [dreg:$0x2];
	s16 =	sor.u32 s15, s4  }
0x5: {  	[smem:$0x7FF] =	sst s2;
	s4 =	sshll.u32 s16, $0x6  }
0x6: {  	_ =	strace $0x80000047;
	s4 =	sadd.s32 s3, s4;
	s3 =	simm.s32 $0x2  }
0x7: {  	[tilespmem:s2], [sflag:$0x2] =	stream.linear.gather [hbm4b:s4+s2], $0x200, $0x38;
	[tilespmem:$0x8200] =	vst v63  }
0x8: {  	_ =	swait.ge [sflag:s3], $0x200  }
0x9: {  	s6 =	simm.s32 $0x80;
	[sflag:s3] =	ssyncset.done $0x0  }
0xa: {  	s7 =	simm.s32 $0x200;
	s5 =	sadd.s32 $0xF43000, s14;
	[sflag:s3] =	ssyncadd.s32 $0xFFFFFE00  }
0xb: {  	[tilespmem:s7], [sflag:$0x1] =	stream.indirect.gather [hbm4b:s5+s6], $0x40, s2, s6, $0xb8;
	[tilespmem:$0x8200] =	vst v63  }
0xc: {  	s8 =	simm.s32 $0x2200  }
0xd: {  	[tilespmem:s8], [sflag:$0x1] =	stream.indirect.gather [hbm4b:s5+s6], $0x40, s6, s6, $0xb8;
	[tilespmem:$0x8200] =	vst v63  }
0xe: {  	s9 =	simm.s32 $0x100;
	s10 =	simm.s32 $0x4200  }
0xf: {  	[tilespmem:s10], [sflag:$0x1] =	stream.indirect.gather [hbm4b:s5+s6], $0x40, s9, s6, $0xb8;
	[tilespmem:$0x8200] =	vst v63  }
0x10: {  	s11 =	simm.s32 $0x180;
	s12 =	simm.s32 $0x6200;
	s13 =	simm.s32 $0x1  }
0x11: {  	[tilespmem:s12], [sflag:$0x1] =	stream.indirect.gather [hbm4b:s5+s6], $0x40, s11, s6, $0xb8;
	[tilespmem:$0x8200] =	vst v63  }
0x12: {  	_ =	swait.ge [sflag:s13], $0x2000  }
0x13: {  	[sflag:s13] =	ssyncset.done $0x0  }
0x14: {  	[sflag:s13] =	ssyncadd.s32 $0xFFFFE000  }
0x15: {  	_ =	swait.ge [sflag:s13], $0x2000  }
0x16: {  	[sflag:s13] =	ssyncset.done $0x0  }
0x17: {  	s15 =	ssub.s32 $0x2, s15;
	[sflag:s13] =	ssyncadd.s32 $0xFFFFE000  }
0x18: {  	s17 =	sshrl.u32 s15, $0x1;
	_ =	swait.ge [sflag:s13], $0x2000  }
0x19: {  	s15 =	ssub.s32 s15, s17;
	[sflag:s13] =	ssyncset.done $0x0  }
0x1a: {  	s15 =	smax.u32 s15, $0x1;
	[sflag:s13] =	ssyncadd.s32 $0xFFFFE000  }
0x1b: {  	s16 =	sshll.u32 s16, $0xC;
	p0 =	sne.s32 s15, $0x1;
	_ =	swait.ge [sflag:s13], $0x2000  }
.Ltmp0:
0x1c: {  	s14 =	sadd.s32 s16, s14;
	[sflag:s13] =	ssyncset.done $0x0;
	(pc) =	sbr.rel @!p0 .LBB2_2-.Ltmp0, $4  }
0x1d: {  	s14 =	sadd.s32 $0xC00, s14;
	[sflag:s13] =	ssyncadd.s32 $0xFFFFE000  }
0x1e: {  	[hbm4b:s14+s2] =	stream.linear.scatter [tilespmem:s7], [sflag:$0x2], $0x8000, $0x38;
	[tilespmem:$0x8200] =	vst v63  }
0x1f: {  	_ =	swait.ge [sflag:s3], $0x8000  }
0x20: {  	s15 =	sadd.s32 $0xFFFFFFFF, s15;
	[sflag:s3] =	ssyncset.done $0x0  }
.LBB2_1:
0x21: {  	p0 =	sne.s32 s15, $0x1;
	s15 =	sadd.s32 $0xFFFFFFFF, s15;
	[sflag:s3] =	ssyncadd.s32 $0xFFFF8000  }
0x22: {  	[tilespmem:s2], [sflag:$0x2] =	stream.linear.gather [hbm4b:s4+s2], $0x200, $0x38;
	[tilespmem:$0x8200] =	vst v63  }
0x23: {  	_ =	swait.ge [sflag:s3], $0x200  }
0x24: {  	[sflag:s3] =	ssyncset.done $0x0  }
0x25: {  	[sflag:s3] =	ssyncadd.s32 $0xFFFFFE00  }
0x26: {  	[tilespmem:s7], [sflag:$0x1] =	stream.indirect.gather [hbm4b:s5+s6], $0x40, s2, s6, $0xb8;
	[tilespmem:$0x8200] =	vst v63  }
0x27: {  	_ = 	snop  }
0x28: {  	[tilespmem:s8], [sflag:$0x1] =	stream.indirect.gather [hbm4b:s5+s6], $0x40, s6, s6, $0xb8;
	[tilespmem:$0x8200] =	vst v63  }
0x29: {  	_ = 	snop  }
0x2a: {  	[tilespmem:s10], [sflag:$0x1] =	stream.indirect.gather [hbm4b:s5+s6], $0x40, s9, s6, $0xb8;
	[tilespmem:$0x8200] =	vst v63  }
0x2b: {  	_ = 	snop  }
0x2c: {  	[tilespmem:s12], [sflag:$0x1] =	stream.indirect.gather [hbm4b:s5+s6], $0x40, s11, s6, $0xb8;
	[tilespmem:$0x8200] =	vst v63  }
0x2d: {  	_ =	swait.ge [sflag:s13], $0x2000  }
0x2e: {  	[sflag:s13] =	ssyncset.done $0x0  }
0x2f: {  	[sflag:s13] =	ssyncadd.s32 $0xFFFFE000  }
0x30: {  	_ =	swait.ge [sflag:s13], $0x2000  }
0x31: {  	[sflag:s13] =	ssyncset.done $0x0  }
0x32: {  	[sflag:s13] =	ssyncadd.s32 $0xFFFFE000  }
0x33: {  	_ =	swait.ge [sflag:s13], $0x2000  }
0x34: {  	[sflag:s13] =	ssyncset.done $0x0  }
0x35: {  	[sflag:s13] =	ssyncadd.s32 $0xFFFFE000  }
0x36: {  	_ =	swait.ge [sflag:s13], $0x2000  }
.Ltmp1:
0x37: {  	[sflag:s13] =	ssyncset.done $0x0;
	(pc) =	sbr.rel @p0 .LBB2_1-.Ltmp1, $4  }
0x38: {  	[sflag:s13] =	ssyncadd.s32 $0xFFFFE000  }
0x39: {  	[hbm4b:s14+s2] =	stream.linear.scatter [tilespmem:s7], [sflag:$0x2], $0x8000, $0x38;
	[tilespmem:$0x8200] =	vst v63  }
0x3a: {  	_ =	swait.ge [sflag:s3], $0x8000  }
0x3b: {  	[sflag:s3] =	ssyncset.done $0x0  }
.LBB2_2:
0x3c: {  	[sflag:s3] =	ssyncadd.s32 $0xFFFF8000  }
0x3d: {  	_ =	sfence.sel $0x180000  }
0x3e: {  	[bflag:$0x0] =	sbarrier.arrive $0xFFFF  }
0x3f: {  	p0 =	sne.s32 s0, $0x0;
	_ =	strace $0x90000047  }
0x40: {  	s0 =	sadd.s32 @!p0 $0x100000, s1;
	[bflag:$0x2] =	sbarrier.arrive $0xFFFF  }
0x41: {  	[sflag:s0] =	ssyncadd.tile.s32 @!p0 $0x1;
	_ =	shalt  }
.Lfunc_end2:
_tile_overlayer_lowered:
.L_overlay_start_2:
0x42: {  	(tag) =	ssettag $0x2  }
0x43: {  	s0 =	rddreg [dreg:$0x0];
	s2 =	stileid.u32  }
0x44: {  	s1 =	rddreg [dreg:$0x1];
	p0 =	sne.s32 s2, $0x0  }
0x45: {  	s3 =	rddreg [dreg:$0x2];
	[bflag:$0x3] =	sbarrier.arrive $0xFFFF;
	s2 =	simm.s32 @!p0 $0x1C02  }
0x46: {  	[timem:s3], [sflag:s2] =	dma.local @!p0 [hbm:s0], s1  }
0x47: {  	s0 =	simm.s32 @!p0 $0x2  }
0x48: {  	_ =	swait.ge @!p0 [sflag:s0], s1  }
0x49: {  	s1 =	ssub.s32 @!p0 $0x0, s1;
	[sflag:s0] =	ssyncset.done @!p0 $0x0  }
0x4a: {  	[sflag:s0] =	ssyncadd.s32 @!p0 s1  }
0x4b: {  	[bflag:$0x3] =	sbarrier.arrive $0xFFFF  }
0x4c: {  	_ =	shalt  }

// kernel: _run.8.cloned.1.call-start
scs
__scs_entry_jumppad:
0x0: {  	(pc) =	sbr.rel $0x88, $3  }
0x1: {  	(tag) =	ssettag $0x0;
	lr =	simm.s32 $0x1  }
0x2: {  	[smem:$0x3F9D] =	sst lr;
	_ =	strace $0xD0000000  }
0x3: {  	_ = 	snop  }
0x4: {  	_ = 	snop  }
0x5: {  	_ = 	snop  }
0x6: {  	_ = 	snop  }
0x7: {  	_ = 	snop  }
__scs_overlays_trampoline_lowered:
0x8: {  	[smem:$0x3FAC] =	sst s0  }
0x9: {  	[smem:$0x3FAD] =	sst s1  }
0xa: {  	[smem:$0x3FAE] =	sst s2  }
0xb: {  	[smem:$0x3FAF] =	sst s3  }
0xc: {  	[smem:$0x3FB0] =	sst s4  }
0xd: {  	[smem:$0x3FB1] =	sst s5  }
0xe: {  	[smem:$0x3FB2] =	sst s6  }
0xf: {  	[smem:$0x3FB3] =	sst s7  }
0x10: {  	[smem:$0x3FB4] =	sst s8  }
0x11: {  	[smem:$0x3FB5] =	sst s9;
	s0 =	simm.s32 @!p0 $0x0  }
0x12: {  	s1 =	sld [smem:$0x3F9B];
	s0 =	simm.s32 @p0 $0x1  }
0x13: {  	[smem:$0x3FB6] =	sst s0;
	s0 =	simm.s32 @!p1 $0x0  }
0x14: {  	s2 =	sld [smem:$0x3F9A];
	s0 =	simm.s32 @p1 $0x1  }
0x15: {  	[smem:$0x3FB7] =	sst s0;
	s0 =	simm.s32 @!p2 $0x0  }
0x16: {  	s3 =	sld [smem:$0x3FDB];
	s0 =	simm.s32 @p2 $0x1  }
0x17: {  	s4 =	simm.s32 $0x1BF5;
	[smem:$0x3FB9] =	sst s0  }
0x18: {  	s0 =	sld [smem:$0x3F9C];
	_ =	swait.ge [sflag:s4], $0x0  }
0x19: {  	s7 =	sld [smem:$0x3F9D]  }
0x1a: {  	s8 =	sadd.s32 $0xFFFFE003, lr  }
0x1b: {  	s9 =	sadd.s32 $0xFFFFFEF7, lr;
	s5 =	simm.s32 $0xFFFFFFFF;
	p2 =	slt.u32 s8, $0xFFFFF086  }
0x1c: {  	p1 =	slt.u32 s9, $0xF7A;
	s5 =	simm.s32 @!p2 $0x0  }
0x1d: {  	s5 =	simm.s32 @p1 $0x1;
	p0 =	seq.s32 s7, s2  }
0x1e: {  	s7 =	smul.u32 @!p0 $0xF7A, s2;
	p2 =	seq.s32 @!p0 s5, $0x0  }
0x1f: {  	s9 =	smul.u32 $0xF7A, s1;
	s8 =	simm.s32 @!p0 $0x1BF5;
	p2 =	por !p2, p0  }
0x20: {  	[sflag:s8] =	ssyncset.s32 @!p0 $0xFFFFF086;
	s6 =	sadd.s32 @!p0 s3, s7;
	s7 =	simm.s32 @!p0 $0x108  }
0x21: {  	s3 =	sadd.s32 s3, s9;
	s6 =	sadd.s32 @!p0 $0x88, s6;
	s7 =	simm.s32 @p2 $0x1082  }
0x22: {  	[simem:s7], [sflag:s8] =	dma.local @!p0 [hbm:s6], $0xF7A  }
0x23: {  	s9 =	sor.u32 $0xD0000000, s2;
	s6 =	simm.s32 $0x108;
	_ =	swait.ge @!p0 [sflag:s8], $0x0  }
0x24: {  	s3 =	sadd.s32 $0x88, s3;
	s6 =	simm.s32 @!p1 $0x1082;
	[sflag:s4] =	ssyncset.s32 $0xFFFFF086  }
0x25: {  	[simem:s6], [sflag:s4] =	dma.local [hbm:s3], $0xF7A  }
0x26: {  	[smem:$0x3F9D] =	sst s1;
	(tag) =	ssettag s2;
	_ =	strace s9  }
0x27: {  	s1 =	sld [smem:$0x3FAD]  }
0x28: {  	s2 =	sld [smem:$0x3FAE]  }
0x29: {  	s4 =	sld [smem:$0x3FB0]  }
0x2a: {  	p0 =	seq.s32 s5, $0x0;
	s5 =	sld [smem:$0x3FB1]  }
0x2b: {  	s6 =	sld [smem:$0x3FB2]  }
0x2c: {  	s7 =	sld [smem:$0x3FB3]  }
0x2d: {  	s3 =	simm.s32 $0x108;
	s8 =	sld [smem:$0x3FB4]  }
0x2e: {  	s3 =	simm.s32 @!p0 $0x1082;
	s9 =	sld [smem:$0x3FB5]  }
0x2f: {  	lr =	sadd.s32 s0, s3;
	s0 =	sld [smem:$0x3FAC]  }
0x30: {  	s3 =	sld [smem:$0x3FAF]  }
0x31: {  	[smem:$0x3FB8] =	sst s10  }
0x32: {  	s10 =	sld [smem:$0x3FB6];
	_ =	sdelay $0x3  }
0x33: {  	p0 =	seq.s32 s10, $0x1;
	s10 =	sld [smem:$0x3FB8];
	_ =	sdelay $0x3  }
0x34: {  	[smem:$0x3FB8] =	sst s10  }
0x35: {  	s10 =	sld [smem:$0x3FB7];
	_ =	sdelay $0x3  }
0x36: {  	p1 =	seq.s32 s10, $0x1;
	s10 =	sld [smem:$0x3FB8];
	_ =	sdelay $0x3  }
0x37: {  	[smem:$0x3FB8] =	sst s10  }
0x38: {  	s10 =	sld [smem:$0x3FB9]  }
0x39: {  	_ = 	snop;
	(pc) =	sbr.ind lr, $3  }
0x3a: {  	_ = 	snop  }
0x3b: {  	_ = 	snop  }
0x3c: {  	p2 =	seq.s32 s10, $0x1;
	s10 =	sld [smem:$0x3FB8]  }
0x3d: {  	_ =	shalt  }
0x3e: {  	_ =	shalt  }
0x3f: {  	_ =	shalt  }
0x40: {  	_ =	shalt  }
0x41: {  	_ =	shalt  }
0x42: {  	_ =	shalt  }
0x43: {  	_ =	shalt  }
0x44: {  	_ =	shalt  }
0x45: {  	_ =	shalt  }
0x46: {  	_ =	shalt  }
0x47: {  	_ =	shalt  }
0x48: {  	_ =	shalt  }
0x49: {  	_ =	shalt  }
0x4a: {  	_ =	shalt  }
0x4b: {  	_ =	shalt  }
0x4c: {  	_ =	shalt  }
0x4d: {  	_ =	shalt  }
0x4e: {  	_ =	shalt  }
0x4f: {  	_ =	shalt  }
0x50: {  	_ =	shalt  }
0x51: {  	_ =	shalt  }
0x52: {  	_ =	shalt  }
0x53: {  	_ =	shalt  }
0x54: {  	_ =	shalt  }
0x55: {  	_ =	shalt  }
0x56: {  	_ =	shalt  }
0x57: {  	_ =	shalt  }
0x58: {  	_ =	shalt  }
0x59: {  	_ =	shalt  }
0x5a: {  	_ =	shalt  }
0x5b: {  	_ =	shalt  }
0x5c: {  	_ =	shalt  }
0x5d: {  	_ =	shalt  }
0x5e: {  	_ =	shalt  }
0x5f: {  	_ =	shalt  }
0x60: {  	_ =	shalt  }
0x61: {  	_ =	shalt  }
0x62: {  	_ =	shalt  }
0x63: {  	_ =	shalt  }
0x64: {  	_ =	shalt  }
0x65: {  	_ =	shalt  }
0x66: {  	_ =	shalt  }
0x67: {  	_ =	shalt  }
0x68: {  	_ =	shalt  }
0x69: {  	_ =	shalt  }
0x6a: {  	_ =	shalt  }
0x6b: {  	_ =	shalt  }
0x6c: {  	_ =	shalt  }
0x6d: {  	_ =	shalt  }
0x6e: {  	_ =	shalt  }
0x6f: {  	_ =	shalt  }
0x70: {  	_ =	shalt  }
0x71: {  	_ =	shalt  }
0x72: {  	_ =	shalt  }
0x73: {  	_ =	shalt  }
0x74: {  	_ =	shalt  }
0x75: {  	_ =	shalt  }
0x76: {  	_ =	shalt  }
0x77: {  	_ =	shalt  }
0x78: {  	_ =	shalt  }
0x79: {  	_ =	shalt  }
0x7a: {  	_ =	shalt  }
0x7b: {  	_ =	shalt  }
0x7c: {  	_ =	shalt  }
0x7d: {  	_ =	shalt  }
0x7e: {  	_ =	shalt  }
0x7f: {  	_ =	shalt  }
0x80: {  	_ =	shalt  }
0x81: {  	_ =	shalt  }
0x82: {  	_ =	shalt  }
0x83: {  	_ =	shalt  }
0x84: {  	_ =	shalt  }
0x85: {  	_ =	shalt  }
0x86: {  	_ =	shalt  }
0x87: {  	_ =	shalt  }
.Lfunc_end0:
.L_simem_size_0:
called_computation.1_lowered:
.L_overlay_start_0:
0x88: {  	s2 =	sld [smem:$0x3FD9]  }
0x89: {  	s3 =	sld [smem:$0x3FFE];
	_ =	sdelay $0x1  }
0x8a: {  	s1 =	srdreg.scid  }
0x8b: {  	s0 =	sand.u32 $0x1, s1  }
0x8c: {  	s17 =	sshll.u32 s0, $0xA;
	s2 =	sadd.s32 s3, s2  }
0x8d: {  	s2 =	sadd.s32 s2, s17  }
0x8e: {  	[smem:$0x3FC4] =	sst s2  }
0x8f: {  	_ = 	snop  }
0x90: {  	s18 =	sld [smem:$0x3FC8];
	(tm) =	ssettm $0x1  }
0x91: {  	s19 =	sld [smem:$0x3FFB];
	_ =	sdelay $0x3  }
0x92: {  	_ =	strace s19  }
0x93: {  	s2 =	sld [smem:$0x3FFC];
	_ =	sdelay $0x3  }
0x94: {  	_ =	strace s2  }
0x95: {  	s2 =	sld [smem:$0x3FFD];
	_ =	sdelay $0x3  }
0x96: {  	_ =	strace s2  }
0x97: {  	_ =	strace $0x8FFFFFFF  }
0x98: {  	s20 =	sld [smem:$0x3FDB];
	_ =	sdelay $0x1  }
0x99: {  	s4 =	simm.s32 $_scs_section_size  }
0x9a: {  	s5 =	simm.s32 $_size__tile_overlayer_lowered;
	s6 =	simm.s32 $_tile_overlayer_lowered  }
0x9b: {  	s7 =	simm.s32 $0x1BFF;
	s21 =	sshll.u32 s6, $0x1;
	s4 =	sadd.s32 s4, s20  }
0x9c: {  	s22 =	simm.s32 $0x0;
	s5 =	sshll.u32 s5, $0x1;
	s6 =	sadd.s32 s21, s4  }
0x9d: {  	[timem:s22], [sflag:s7] =	dma.local [hbm:s6], s5  }
0x9e: {  	_ =	swait.ge [sflag:s7], s5  }
0x9f: {  	s5 =	ssub.s32 $0x0, s5;
	[sflag:s7] =	ssyncset.done $0x0  }
0xa0: {  	[sflag:s7] =	ssyncadd.s32 s5;
	_ =	sdelay $0x1  }
0xa1: {  	s23 =	simm.s32 $0x1B8B  }
0xa2: {  	_ =	swait.ge [sflag:s23], $0x1  }
0xa3: {  	[sflag:s23] =	ssyncset.done $0x0  }
0xa4: {  	[sflag:s23] =	ssyncadd.s32 $0xFFFFFFFF  }
0xa5: {  	s5 =	sld [smem:$0x0]  }
0xa6: {  	s6 =	sand.u32 $0xFFFFFFFE, s1  }
0xa7: {  	p0 =	sne.s32 s1, s6  }
0xa8: {  	s6 =	sshll.u32 @p0 s6, $0xE  }
0xa9: {  	s6 =	sadd.s32 @p0 $0x11B8D, s6;
	s7 =	sshll.u32 @p0 s5, $0x11  }
0xaa: {  	s6 =	sor.u32 @p0 s7, s6  }
0xab: {  	[sflag:s6] =	ssyncadd.remote.s32 @p0 $0x1;
	_ =	sdelay $0x1  }
0xac: {  	s6 =	simm.s32 @p0 $0x1B8D  }
0xad: {  	_ =	swait.eq @p0 [sflag:s6], $0x1  }
0xae: {  	[sflag:s6] =	ssyncadd.s32 @p0 $0xFFFFFFFF  }
0xaf: {  	s7 =	sshll.u32 @!p0 s1, $0xE  }
0xb0: {  	s7 =	sor.u32 @!p0 $0x4000, s7;
	s6 =	simm.s32 @!p0 $0x1B8D  }
0xb1: {  	s5 =	sshll.u32 @!p0 s5, $0x11;
	s7 =	sadd.s32 @!p0 $0x11B8D, s7;
	_ =	swait.eq @!p0 [sflag:s6], $0x1  }
0xb2: {  	s5 =	sor.u32 @!p0 s5, s7;
	[sflag:s6] =	ssyncadd.s32 @!p0 $0xFFFFFFFF  }
0xb3: {  	s25 =	simm.s32 $0x1B8E;
	s24 =	sld [smem:$0x3FFE];
	[sflag:s5] =	ssyncadd.remote.s32 @!p0 $0x1  }
0xb4: {  	s26 =	simm.s32 $execute0_lowered;
	[smem:$0x3FD2] =	sst s25  }
0xb5: {  	s6 =	sshll.u32 s26, $0x1;
	_ =	strace $0x80000049;
	[dreg:$0x1] =	wrdreg $0xFFFFFFFF  }
0xb6: {  	s28 =	simm.s32 $_size_execute0_lowered;
	s4 =	sadd.s32 s4, s6;
	[dreg:$0x0] =	wrdreg $0x0  }
0xb7: {  	s6 =	sshll.u32 s28, $0x1;
	[dreg:$0x2] =	wrdreg s4  }
0xb8: {  	[dreg:$0x3] =	wrdreg s6  }
0xb9: {  	[dreg:$0x4] =	wrdreg $0xC0  }
0xba: {  	_ =	task [dreg:s22], $0x5FFFF  }
0xbb: {  	[dreg:$0x1] =	wrdreg $0xFFFFFFFF  }
0xbc: {  	[dreg:$0x0] =	wrdreg $0x60  }
0xbd: {  	[dreg:$0x2] =	wrdreg s18  }
0xbe: {  	[dreg:$0x3] =	wrdreg s24  }
0xbf: {  	[dreg:$0x4] =	wrdreg $0xA  }
0xc0: {  	_ =	task.clear_ibuf [dreg:s22], $0x5FFFF;
	_ =	strace $0x90000049  }
0xc1: {  	s29 =	simm.s32 $0xA;
	_ =	strace $0x8000004B  }
0xc2: {  	_ =	swait.ge [sflag:s29], $0x1  }
0xc3: {  	[sflag:s29] =	ssyncadd.s32 $0xFFFFFFFF  }
0xc4: {  	_ =	strace $0x9000004B  }
0xc5: {  	_ =	sfence  }
0xc6: {  	s30 =	sld [smem:$0x0];
	_ =	sdelay $0x2  }
0xc7: {  	s31 =	sshll.u32 s1, $0xD;
	s1 =	sshrl.u32 s1, $0x2  }
0xc8: {  	s4 =	sand.u32 $0x4000, s31;
	s1 =	sadd.s32 s1, s30  }
0xc9: {  	s0 =	sor.u32 s4, s0;
	s1 =	sshll.u32 s1, $0x11  }
0xca: {  	s0 =	sor.u32 s1, s0  }
0xcb: {  	s0 =	sadd.s32 $0x8F2B, s0  }
0xcc: {  	[sflag:s0] =	ssyncadd.remote.s32 $0x1  }
0xcd: {  	_ =	sfence.sel $0xFFFF  }
0xce: {  	[dreg:$0x0] =	wrdreg $0xFFFFFFFF;
	(pc) =	sbr.abs _section_cstart, $3  }
0xcf: {  	[dreg:$0x1] =	wrdreg $0xFFFFFFFF  }
0xd0: {  	_ =	task.clear_ibuf [dreg:s22], $0x2FFFF;
	_ =	strace $0x9FFFFFFF  }
0xd1: {  	(tm) =	ssettm $0x7FFFFFFF  }
tec
execute0_lowered:
.L_overlay_start_1:
0x0: {  	(tag) =	ssettag $0x1  }
0x1: {  	s3 =	rddreg [dreg:$0x0]  }
0x2: {  	s1 =	srdreg.scid;
	s0 =	stileid.u32  }
0x3: {  	s14 =	rddreg [dreg:$0x1];
	s15 =	sand.u32 $0x1, s1;
	s4 =	sshll.u32 s0, $0x1  }
0x4: {  	s2 =	simm.s32 $0x0;
	s1 =	rddreg [dreg:$0x2];
	s16 =	sor.u32 s15, s4  }
0x5: {  	[smem:$0x7FF] =	sst s2;
	s4 =	sshll.u32 s16, $0x6  }
0x6: {  	_ =	strace $0x8000004A;
	s4 =	sadd.s32 s3, s4;
	s3 =	simm.s32 $0x2  }
0x7: {  	[tilespmem:s2], [sflag:$0x2] =	stream.linear.gather [hbm4b:s4+s2], $0x200, $0x38;
	[tilespmem:$0x8200] =	vst v63  }
0x8: {  	_ =	swait.ge [sflag:s3], $0x200  }
0x9: {  	s6 =	simm.s32 $0x80;
	[sflag:s3] =	ssyncset.done $0x0  }
0xa: {  	s7 =	simm.s32 $0x200;
	s5 =	sadd.s32 $0x20C00, s14;
	[sflag:s3] =	ssyncadd.s32 $0xFFFFFE00  }
0xb: {  	[tilespmem:s7], [sflag:$0x1] =	stream.indirect.gather [hbm4b:s5+s6], $0x40, s2, s6, $0xb8;
	[tilespmem:$0x8200] =	vst v63  }
0xc: {  	s8 =	simm.s32 $0x2200  }
0xd: {  	[tilespmem:s8], [sflag:$0x1] =	stream.indirect.gather [hbm4b:s5+s6], $0x40, s6, s6, $0xb8;
	[tilespmem:$0x8200] =	vst v63  }
0xe: {  	s9 =	simm.s32 $0x100;
	s10 =	simm.s32 $0x4200  }
0xf: {  	[tilespmem:s10], [sflag:$0x1] =	stream.indirect.gather [hbm4b:s5+s6], $0x40, s9, s6, $0xb8;
	[tilespmem:$0x8200] =	vst v63  }
0x10: {  	s11 =	simm.s32 $0x180;
	s12 =	simm.s32 $0x6200;
	s13 =	simm.s32 $0x1  }
0x11: {  	[tilespmem:s12], [sflag:$0x1] =	stream.indirect.gather [hbm4b:s5+s6], $0x40, s11, s6, $0xb8;
	[tilespmem:$0x8200] =	vst v63  }
0x12: {  	_ =	swait.ge [sflag:s13], $0x2000  }
0x13: {  	[sflag:s13] =	ssyncset.done $0x0  }
0x14: {  	[sflag:s13] =	ssyncadd.s32 $0xFFFFE000  }
0x15: {  	_ =	swait.ge [sflag:s13], $0x2000  }
0x16: {  	[sflag:s13] =	ssyncset.done $0x0  }
0x17: {  	s15 =	ssub.s32 $0x2, s15;
	[sflag:s13] =	ssyncadd.s32 $0xFFFFE000  }
0x18: {  	s17 =	sshrl.u32 s15, $0x1;
	_ =	swait.ge [sflag:s13], $0x2000  }
0x19: {  	s15 =	ssub.s32 s15, s17;
	[sflag:s13] =	ssyncset.done $0x0  }
0x1a: {  	s15 =	smax.u32 s15, $0x1;
	[sflag:s13] =	ssyncadd.s32 $0xFFFFE000  }
0x1b: {  	s16 =	sshll.u32 s16, $0xC;
	p0 =	sne.s32 s15, $0x1;
	_ =	swait.ge [sflag:s13], $0x2000  }
.Ltmp0:
0x1c: {  	s14 =	sadd.s32 s16, s14;
	[sflag:s13] =	ssyncset.done $0x0;
	(pc) =	sbr.rel @!p0 .LBB2_2-.Ltmp0, $4  }
0x1d: {  	s14 =	sadd.s32 $0x7C1E00, s14;
	[sflag:s13] =	ssyncadd.s32 $0xFFFFE000  }
0x1e: {  	[hbm4b:s14+s2] =	stream.linear.scatter [tilespmem:s7], [sflag:$0x2], $0x8000, $0x38;
	[tilespmem:$0x8200] =	vst v63  }
0x1f: {  	_ =	swait.ge [sflag:s3], $0x8000  }
0x20: {  	s15 =	sadd.s32 $0xFFFFFFFF, s15;
	[sflag:s3] =	ssyncset.done $0x0  }
.LBB2_1:
0x21: {  	p0 =	sne.s32 s15, $0x1;
	s15 =	sadd.s32 $0xFFFFFFFF, s15;
	[sflag:s3] =	ssyncadd.s32 $0xFFFF8000  }
0x22: {  	[tilespmem:s2], [sflag:$0x2] =	stream.linear.gather [hbm4b:s4+s2], $0x200, $0x38;
	[tilespmem:$0x8200] =	vst v63  }
0x23: {  	_ =	swait.ge [sflag:s3], $0x200  }
0x24: {  	[sflag:s3] =	ssyncset.done $0x0  }
0x25: {  	[sflag:s3] =	ssyncadd.s32 $0xFFFFFE00  }
0x26: {  	[tilespmem:s7], [sflag:$0x1] =	stream.indirect.gather [hbm4b:s5+s6], $0x40, s2, s6, $0xb8;
	[tilespmem:$0x8200] =	vst v63  }
0x27: {  	_ = 	snop  }
0x28: {  	[tilespmem:s8], [sflag:$0x1] =	stream.indirect.gather [hbm4b:s5+s6], $0x40, s6, s6, $0xb8;
	[tilespmem:$0x8200] =	vst v63  }
0x29: {  	_ = 	snop  }
0x2a: {  	[tilespmem:s10], [sflag:$0x1] =	stream.indirect.gather [hbm4b:s5+s6], $0x40, s9, s6, $0xb8;
	[tilespmem:$0x8200] =	vst v63  }
0x2b: {  	_ = 	snop  }
0x2c: {  	[tilespmem:s12], [sflag:$0x1] =	stream.indirect.gather [hbm4b:s5+s6], $0x40, s11, s6, $0xb8;
	[tilespmem:$0x8200] =	vst v63  }
0x2d: {  	_ =	swait.ge [sflag:s13], $0x2000  }
0x2e: {  	[sflag:s13] =	ssyncset.done $0x0  }
0x2f: {  	[sflag:s13] =	ssyncadd.s32 $0xFFFFE000  }
0x30: {  	_ =	swait.ge [sflag:s13], $0x2000  }
0x31: {  	[sflag:s13] =	ssyncset.done $0x0  }
0x32: {  	[sflag:s13] =	ssyncadd.s32 $0xFFFFE000  }
0x33: {  	_ =	swait.ge [sflag:s13], $0x2000  }
0x34: {  	[sflag:s13] =	ssyncset.done $0x0  }
0x35: {  	[sflag:s13] =	ssyncadd.s32 $0xFFFFE000  }
0x36: {  	_ =	swait.ge [sflag:s13], $0x2000  }
.Ltmp1:
0x37: {  	[sflag:s13] =	ssyncset.done $0x0;
	(pc) =	sbr.rel @p0 .LBB2_1-.Ltmp1, $4  }
0x38: {  	[sflag:s13] =	ssyncadd.s32 $0xFFFFE000  }
0x39: {  	[hbm4b:s14+s2] =	stream.linear.scatter [tilespmem:s7], [sflag:$0x2], $0x8000, $0x38;
	[tilespmem:$0x8200] =	vst v63  }
0x3a: {  	_ =	swait.ge [sflag:s3], $0x8000  }
0x3b: {  	[sflag:s3] =	ssyncset.done $0x0  }
.LBB2_2:
0x3c: {  	[sflag:s3] =	ssyncadd.s32 $0xFFFF8000  }
0x3d: {  	_ =	sfence.sel $0x180000  }
0x3e: {  	[bflag:$0x0] =	sbarrier.arrive $0xFFFF  }
0x3f: {  	p0 =	sne.s32 s0, $0x0;
	_ =	strace $0x9000004A  }
0x40: {  	s0 =	sadd.s32 @!p0 $0x100000, s1;
	[bflag:$0x2] =	sbarrier.arrive $0xFFFF  }
0x41: {  	[sflag:s0] =	ssyncadd.tile.s32 @!p0 $0x1;
	_ =	shalt  }
.Lfunc_end2:
_tile_overlayer_lowered:
.L_overlay_start_2:
0x42: {  	(tag) =	ssettag $0x2  }
0x43: {  	s0 =	rddreg [dreg:$0x0];
	s2 =	stileid.u32  }
0x44: {  	s1 =	rddreg [dreg:$0x1];
	p0 =	sne.s32 s2, $0x0  }
0x45: {  	s3 =	rddreg [dreg:$0x2];
	[bflag:$0x3] =	sbarrier.arrive $0xFFFF;
	s2 =	simm.s32 @!p0 $0x1C02  }
0x46: {  	[timem:s3], [sflag:s2] =	dma.local @!p0 [hbm:s0], s1  }
0x47: {  	s0 =	simm.s32 @!p0 $0x2  }
0x48: {  	_ =	swait.ge @!p0 [sflag:s0], s1  }
0x49: {  	s1 =	ssub.s32 @!p0 $0x0, s1;
	[sflag:s0] =	ssyncset.done @!p0 $0x0  }
0x4a: {  	[sflag:s0] =	ssyncadd.s32 @!p0 s1  }
0x4b: {  	[bflag:$0x3] =	sbarrier.arrive $0xFFFF  }
0x4c: {  	_ =	shalt  }

</sc_bundles>
